<compile_context>
chip_gen: v7x
topology: tpu7x:2x2x1
jax: 0.10.2.dev20260603
libtpu: 0.0.44.dev20260713+nightly
codegen_flags: <defaults>
</compile_context>

<pallas_src>
import functools

import jax
import jax.numpy as jnp
import numpy as np
from jax import lax
from jax.experimental import pallas as pl
from jax.experimental.pallas import tpu as pltpu
from jax.experimental.pallas import tpu_sc as plsc

_N = 10000
_E = 320000
_INDIM = 16
_OUTDIM = 16
_H = 256

_NC = 2
_NS = 16
_NW = _NC * _NS
_EW = _E // _NW
_GC = 2000
_NP = 10240
_RPT = _NP // _NS

_R_NP = np.kron(np.eye(_INDIM, dtype=np.float32),
                np.ones((1, _OUTDIM), dtype=np.float32))
_S_NP = np.kron(np.ones((_INDIM, 1), dtype=np.float32),
                np.eye(_OUTDIM, dtype=np.float32))
_P_NP = np.kron(np.ones((8, 8), dtype=np.float32),
                np.eye(_OUTDIM, dtype=np.float32)) / 8.0
_EK_NP = np.zeros((8, 128, 16), dtype=np.float32)
for _k in range(8):
    _EK_NP[_k, 16 * _k:16 * (_k + 1), :] = np.eye(16, dtype=np.float32)
_EKT_NP = np.ascontiguousarray(np.transpose(_EK_NP, (0, 2, 1)))
_RE_NP = np.einsum('kli,ij->klj', _EK_NP, _R_NP)
_SEK_NP = np.einsum('ij,kjl->kil', _S_NP, _EKT_NP)
_RC_NP = np.ascontiguousarray(
    np.transpose(_RE_NP, (1, 0, 2)).reshape(128, 8 * _H))
_BE = 3200

_NCH = _EW // _GC


def _make_gather_body(ew, nch):
    def _gather_body(x_hbm, src2_hbm, xs_hbm,
                     idx_v, r0, r1, g0, g1, s0, s1):
        wid = lax.axis_index("s") * _NC + lax.axis_index("c")
        base = wid * ew
        rows = (r0, r1)
        gsem = (g0, g1)
        ssem = (s0, s1)
        pltpu.sync_copy(src2_hbm.at[pl.ds(wid * nch, nch)], idx_v)
        gcp = [None] * nch
        scp = [None] * nch
        gcp[0] = pltpu.async_copy(x_hbm.at[idx_v.at[0]], rows[0], gsem[0])
        for j in range(nch):
            b = j % 2
            gcp[j].wait()
            if j + 1 < nch:
                if j >= 1:
                    scp[j - 1].wait()
                gcp[j + 1] = pltpu.async_copy(
                    x_hbm.at[idx_v.at[j + 1]], rows[(j + 1) % 2],
                    gsem[(j + 1) % 2])
            scp[j] = pltpu.async_copy(
                rows[b], xs_hbm.at[pl.ds(base + j * _GC, _GC)], ssem[b])
        scp[nch - 1].wait()
        scp[nch - 2].wait()
    return _gather_body


def _make_scatter_body(ew, nch):
    def _scatter_body(msg_hbm, dst2_hbm, agg_hbm, idx_v, r0, r1, stage_v,
                      acc_sh, l0, l1):
        c = lax.axis_index("c")
        s = lax.axis_index("s")
        wid = s * _NC + c
        base = wid * ew
        row0 = s * _RPT
        rows = (r0, r1)
        lsem = (l0, l1)

        def _zero_row(r, carry):
            stage_v[r] = jnp.zeros((_OUTDIM,), jnp.float32)
            return carry

        lax.fori_loop(0, _RPT, _zero_row, 0)
        pltpu.sync_copy(stage_v, acc_sh.at[pl.ds(row0, _RPT)])
        pltpu.sync_copy(dst2_hbm.at[pl.ds(wid * nch, nch)], idx_v)
        plsc.subcore_barrier()

        lcp = [None] * nch
        lcp[0] = pltpu.async_copy(
            msg_hbm.at[pl.ds(base, _GC)], rows[0], lsem[0])
        for j in range(nch):
            b = j % 2
            if j + 1 < nch:
                lcp[j + 1] = pltpu.async_copy(
                    msg_hbm.at[pl.ds(base + (j + 1) * _GC, _GC)],
                    rows[(j + 1) % 2], lsem[(j + 1) % 2])
            lcp[j].wait()
            pltpu.sync_copy(rows[b], acc_sh.at[idx_v.at[j]], add=True)

        plsc.subcore_barrier()
        pltpu.sync_copy(acc_sh.at[pl.ds(row0, _RPT)], stage_v)
        pltpu.sync_copy(stage_v, agg_hbm.at[pl.ds(c * _NP + row0, _RPT)])
    return _scatter_body


@functools.lru_cache(maxsize=1)
def _sc_kernels():
    mesh = plsc.VectorSubcoreMesh(core_axis_name="c", subcore_axis_name="s")
    params = pltpu.CompilerParams(use_tc_tiling_on_sc=False)
    ew = _EW
    nch = ew // _GC
    gather_k = pl.kernel(
        _make_gather_body(ew, nch),
        out_type=jax.ShapeDtypeStruct((_E, _INDIM), jnp.float32),
        scratch_types=[
            pltpu.VMEM((nch, _GC), jnp.int32),
            pltpu.VMEM((_GC, _INDIM), jnp.float32),
            pltpu.VMEM((_GC, _INDIM), jnp.float32),
            pltpu.SemaphoreType.DMA,
            pltpu.SemaphoreType.DMA,
            pltpu.SemaphoreType.DMA,
            pltpu.SemaphoreType.DMA,
        ],
        mesh=mesh,
        compiler_params=params,
    )
    scatter_k = pl.kernel(
        _make_scatter_body(ew, nch),
        out_type=jax.ShapeDtypeStruct((2 * _NP, _OUTDIM), jnp.float32),
        scratch_types=[
            pltpu.VMEM((nch, _GC), jnp.int32),
            pltpu.VMEM((_GC, _OUTDIM), jnp.float32),
            pltpu.VMEM((_GC, _OUTDIM), jnp.float32),
            pltpu.VMEM((_RPT, _OUTDIM), jnp.float32),
            pltpu.VMEM_SHARED((_NP, _OUTDIM), jnp.float32),
            pltpu.SemaphoreType.DMA,
            pltpu.SemaphoreType.DMA,
        ],
        mesh=mesh,
        compiler_params=params,
    )
    return gather_k, scatter_k


def _dense_body(ea, xs, w1, b1, w2, b2d, rc, sek, msg):
    eav = ea[:]
    xsv = xs[:]
    hcat = jnp.dot(eav, w1[:], preferred_element_type=jnp.float32)
    h = jnp.concatenate(
        [hcat[:, 256 * k:256 * (k + 1)] for k in range(8)], axis=0)
    h = jnp.maximum(h + b1[:], 0.0)
    w0 = jnp.dot(h, w2[:], preferred_element_type=jnp.float32)
    xrcat = jnp.dot(xsv, rc[:], preferred_element_type=jnp.float32)
    xr = jnp.concatenate(
        [xrcat[:, 256 * k:256 * (k + 1)] for k in range(8)], axis=0)
    t = xr * w0
    q = _BE // 8
    acc = jnp.dot(xsv, b2d[:], preferred_element_type=jnp.float32)
    for k in range(8):
        acc = acc + jnp.dot(t[k * q:(k + 1) * q], sek[k],
                            preferred_element_type=jnp.float32)
    msg[:] = acc


def _final_body(agg, xp, rootb, biasv, gammav, betav, pfold, out):
    a = agg[:]
    q = _NP // 8
    n = _N // 8
    pre = (a[0:n] + a[q:q + n]
           + jnp.dot(xp[:], rootb[:], preferred_element_type=jnp.float32)
           + biasv[:])
    mu = jnp.mean(pre, axis=0, keepdims=True)
    mu_t = jnp.dot(mu, pfold[:], preferred_element_type=jnp.float32)
    d = pre - mu_t
    var = jnp.mean(d * d, axis=0, keepdims=True)
    var_t = jnp.dot(var, pfold[:], preferred_element_type=jnp.float32)
    bn = gammav[:] * d * lax.rsqrt(var_t + 1e-5) + betav[:]
    out[:] = jnp.maximum(bn, 0.0)


def kernel(x, edge_index, edge_attr, W1, b1, W2, b2, root, bias, gamma, beta):
    src2 = edge_index[0].reshape(_E // _GC, _GC)
    dst2 = edge_index[1].reshape(_E // _GC, _GC)
    gather_k, scatter_k = _sc_kernels()

    xs = gather_k(x, src2)
    xs_p = xs.reshape(_E // 8, 128)
    ea_p = edge_attr.reshape(_E // 8, 128)

    ek = jnp.asarray(_EK_NP)
    w1e = jnp.einsum('kli,ij->klj', ek, W1)
    w1c = jnp.transpose(w1e, (1, 0, 2)).reshape(128, 8 * _H)
    b2d = jnp.einsum('kli,ij,kjo->lo', ek,
                     b2.reshape(_INDIM, _OUTDIM),
                     jnp.asarray(_EKT_NP))

    grid = _E // _BE
    full = lambda shape: pl.BlockSpec(shape, lambda i: (0,) * len(shape))
    msg_p = pl.pallas_call(
        _dense_body,
        grid=(grid,),
        in_specs=[
            pl.BlockSpec((_BE // 8, 128), lambda i: (i, 0)),
            pl.BlockSpec((_BE // 8, 128), lambda i: (i, 0)),
            full((128, 8 * _H)),
            full((1, _H)),
            full((_H, _H)),
            full((128, 128)),
            full((128, 8 * _H)),
            full((8, _H, 128)),
        ],
        out_specs=pl.BlockSpec((_BE // 8, 128), lambda i: (i, 0)),
        out_shape=jax.ShapeDtypeStruct((_E // 8, 128), jnp.float32),
    )(ea_p, xs_p, w1c, b1.reshape(1, _H), W2, b2d,
      jnp.asarray(_RC_NP), jnp.asarray(_SEK_NP))

    msg = msg_p.reshape(_E, _OUTDIM)
    aggp = scatter_k(msg, dst2)
    agg2 = aggp.reshape(2 * _NP // 8, 128)
    xp = x.reshape(_N // 8, 128)
    rootb = jnp.kron(jnp.eye(8, dtype=jnp.float32), root)

    f0 = lambda shape: pl.BlockSpec(shape, lambda: (0, 0))
    out_p = pl.pallas_call(
        _final_body,
        in_specs=[
            f0((2 * _NP // 8, 128)),
            f0((_N // 8, 128)),
            f0((128, 128)),
            f0((1, 128)),
            f0((1, 128)),
            f0((1, 128)),
            f0((128, 128)),
        ],
        out_specs=f0((_N // 8, 128)),
        out_shape=jax.ShapeDtypeStruct((_N // 8, 128), jnp.float32),
    )(agg2, xp, rootb, jnp.tile(bias, 8).reshape(1, 128),
      jnp.tile(gamma, 8).reshape(1, 128), jnp.tile(beta, 8).reshape(1, 128),
      jnp.asarray(_P_NP))
    return out_p.reshape(_N, _OUTDIM)

# --- scband reference (transcript-rebuilt; emitter-appended) ---
"""Pipeline reference for scband-c-83769042141437 (READ-ONLY COPY).

The authoritative reference and input builder live on the scoring server;
editing this copy changes nothing except your own understanding.
"""

import jax, jax.numpy as jnp
import numpy as np

N = 10000
E = 320000
INDIM = 16
OUTDIM = 16
EDGE_DIM = 16
H = INDIM * OUTDIM


def setup_inputs(seed: int = 0) -> dict:
    key = jax.random.key(seed)
    ks = jax.random.split(key, 12)
    x = jax.random.normal(ks[0], (N, INDIM), dtype=jnp.float32)
    edge_index = jax.random.randint(ks[1], (2, E), 0, N, dtype=jnp.int32)
    edge_attr = jax.random.normal(ks[2], (E, EDGE_DIM), dtype=jnp.float32)
    W1 = jax.random.normal(ks[3], (EDGE_DIM, H), dtype=jnp.float32) / np.sqrt(EDGE_DIM)
    b1 = jnp.zeros((H,), dtype=jnp.float32)
    W2 = jax.random.normal(ks[4], (H, H), dtype=jnp.float32) / np.sqrt(H)
    b2 = jnp.zeros((H,), dtype=jnp.float32)
    root = jax.random.normal(ks[5], (INDIM, OUTDIM), dtype=jnp.float32) / np.sqrt(INDIM)
    bias = jnp.zeros((OUTDIM,), dtype=jnp.float32)
    gamma = jnp.ones((OUTDIM,), dtype=jnp.float32)
    beta = jnp.zeros((OUTDIM,), dtype=jnp.float32)
    return {"x": x, "edge_index": edge_index, "edge_attr": edge_attr,
            "W1": W1, "b1": b1, "W2": W2, "b2": b2,
            "root": root, "bias": bias, "gamma": gamma, "beta": beta}


def reference(x, edge_index, edge_attr, W1, b1, W2, b2, root, bias, gamma, beta):
    # edge-conditioned weight generation: mlp = Linear -> ReLU -> Linear
    w = jnp.maximum(edge_attr @ W1 + b1, 0.0) @ W2 + b2          # [E, indim*outdim]
    w = w.reshape(-1, INDIM, OUTDIM)                             # [E, indim, outdim]
    src = edge_index[0]
    dst = edge_index[1]
    # NNConv/ECConv message: x_j @ Theta(e_ij), aggregated by sum at dst
    msg = jnp.einsum('ei,eio->eo', jnp.take(x, src, axis=0), w)  # [E, outdim]
    agg = jax.ops.segment_sum(msg, dst, num_segments=N)          # [N, outdim]
    out = agg + x @ root + bias                                  # root weight + bias
    # BatchNorm1d (training mode: batch statistics, biased variance)
    mu = jnp.mean(out, axis=0)
    var = jnp.var(out, axis=0)
    bn = gamma * (out - mu) * jax.lax.rsqrt(var + 1e-5) + beta
    return jnp.maximum(bn, 0.0)

if __name__ == "__main__":
    import jax
    _d = setup_inputs()
    print(jax.jit(kernel)(*tuple(_d.values())))

</pallas_src>

<mosaic_0001>
#map = affine_map<(d0, d1) -> (0, 0)>
module attributes {stable_mosaic.version = 14 : i64} {
  func.func @_scatter_body(%arg0: i32, %arg1: i32, %arg2: memref<320000x16xf32, #tpu.memory_space<hbm>>, %arg3: memref<160x2000xi32, #tpu.memory_space<hbm>>, %arg4: memref<20480x16xf32, #tpu.memory_space<hbm>>, %arg5: memref<5x2000xi32, #tpu.memory_space<vmem>>, %arg6: memref<2000x16xf32, #tpu.memory_space<vmem>>, %arg7: memref<2000x16xf32, #tpu.memory_space<vmem>>, %arg8: memref<640x16xf32, #tpu.memory_space<vmem>>, %arg9: memref<10240x16xf32, #tpu.memory_space<vmem_shared>>, %arg10: memref<!tpu.dma_semaphore, #tpu.memory_space<semaphore_mem>>, %arg11: memref<!tpu.dma_semaphore, #tpu.memory_space<semaphore_mem>>) attributes {dimension_semantics = [#tpu.dimension_semantics<core_parallel>, #tpu.dimension_semantics<subcore_parallel>], iteration_bounds = array<i64: 2, 16>, scalar_prefetch = 0 : i64, scratch_operands = 7 : i64, tpu.core_type = #tpu.core_type<sc_vector_subcore>, window_params = [{transform_indices = #map}, {transform_indices = #map}, {transform_indices = #map}]} {
    %mul3A = arith.constant 2 : i32
    %mul3A_0 = arith.muli %arg1, %mul3A : i32
    %add3A = arith.addi %mul3A_0, %arg0 : i32
    %mul3A_1 = arith.constant 10000 : i32
    %mul3A_2 = arith.muli %add3A, %mul3A_1 : i32
    %mul3A_3 = arith.constant 640 : i32
    %mul3A_4 = arith.muli %arg1, %mul3A_3 : i32
    %scan3A = arith.constant 0 : i32
    %scan3A_5 = arith.constant 0 : i32
    %scan3A_6 = arith.constant 640 : i32
    %scan3A_7 = arith.addi %scan3A_5, %scan3A_6 : i32
    %scan3A_8 = arith.constant 1 : i32
    scf.for %scan3A_66 = %scan3A_5 to %scan3A_7 step %scan3A_8  : i32 {
      %broadcast_in_dim3A = arith.constant 0.000000e+00 : f32
      %broadcast_in_dim3A_67 = vector.broadcast %broadcast_in_dim3A : f32 to vector<16xf32>
      %swap3A = arith.index_cast %scan3A_66 : i32 to index
      %swap3A_68 = arith.constant 0 : index
      %swap3A_69 = tpu.vector_load %arg8[%swap3A, %swap3A_68] {strides = array<i32>} : memref<640x16xf32, #tpu.memory_space<vmem>>, vector<1x16xf32>,
      %swap3A_70 = vector.shape_cast %swap3A_69 : vector<1x16xf32> to vector<16xf32>
      %swap3A_71 = vector.shape_cast %broadcast_in_dim3A_67 : vector<16xf32> to vector<1x16xf32>
      tpu.vector_store %arg8[%swap3A, %swap3A_68], %swap3A_71 {strides = array<i32>} : memref<640x16xf32, #tpu.memory_space<vmem>>, vector<1x16xf32>,
    }
    %scan3A_9 = arith.constant 640 : i32
    "tpu.region"() ({
      %run_scoped3A_66 = tpu.sem_alloc : memref<!tpu.dma_semaphore, #tpu.memory_space<semaphore_mem>>
      %dma_start3A_67 = arith.constant 0 : i32
      %dma_start3A_68 = tpu.memref_slice %arg9[%mul3A_4, %dma_start3A_67] : memref<10240x16xf32, #tpu.memory_space<vmem_shared>> -> memref<640x16xf32, #tpu.memory_space<vmem_shared>>
      %dma_start3A_69 = arith.constant 0 : i32
      %dma_start3A_70 = tpu.memref_slice %arg9[%mul3A_4, %dma_start3A_69] : memref<10240x16xf32, #tpu.memory_space<vmem_shared>> -> memref<640x16xf32, #tpu.memory_space<vmem_shared>>
      tpu.enqueue_dma source(%arg8 : memref<640x16xf32, #tpu.memory_space<vmem>>) target(%dma_start3A_70 : memref<640x16xf32, #tpu.memory_space<vmem_shared>>) target_semaphore(%run_scoped3A_66 : memref<!tpu.dma_semaphore, #tpu.memory_space<semaphore_mem>>)
      %dma_wait3A_71 = arith.constant 0 : i32
      %dma_wait3A_72 = tpu.memref_slice %arg9[%mul3A_4, %dma_wait3A_71] : memref<10240x16xf32, #tpu.memory_space<vmem_shared>> -> memref<640x16xf32, #tpu.memory_space<vmem_shared>>
      %dma_wait3A_73 = arith.constant 0 : i32
      %dma_wait3A_74 = tpu.memref_slice %arg9[%mul3A_4, %dma_wait3A_73] : memref<10240x16xf32, #tpu.memory_space<vmem_shared>> -> memref<640x16xf32, #tpu.memory_space<vmem_shared>>
      tpu.wait_dma2 semaphore(%run_scoped3A_66 : memref<!tpu.dma_semaphore, #tpu.memory_space<semaphore_mem>>) src(%arg8 : memref<640x16xf32, #tpu.memory_space<vmem>>) dst(%dma_wait3A_74 : memref<640x16xf32, #tpu.memory_space<vmem_shared>>)
      tpu.yield
    }) : () -> ()
    %mul3A_10 = arith.constant 5 : i32
    %mul3A_11 = arith.muli %add3A, %mul3A_10 : i32
    "tpu.region"() ({
      %run_scoped3A_66 = tpu.sem_alloc : memref<!tpu.dma_semaphore, #tpu.memory_space<semaphore_mem>>
      %dma_start3A_67 = arith.constant 0 : i32
      %dma_start3A_68 = tpu.memref_slice %arg3[%mul3A_11, %dma_start3A_67] : memref<160x2000xi32, #tpu.memory_space<hbm>> -> memref<5x2000xi32, #tpu.memory_space<hbm>>
      %dma_start3A_69 = arith.constant 0 : i32
      %dma_start3A_70 = tpu.memref_slice %arg3[%mul3A_11, %dma_start3A_69] : memref<160x2000xi32, #tpu.memory_space<hbm>> -> memref<5x2000xi32, #tpu.memory_space<hbm>>
      tpu.enqueue_dma source(%dma_start3A_70 : memref<5x2000xi32, #tpu.memory_space<hbm>>) target(%arg5 : memref<5x2000xi32, #tpu.memory_space<vmem>>) target_semaphore(%run_scoped3A_66 : memref<!tpu.dma_semaphore, #tpu.memory_space<semaphore_mem>>)
      %dma_wait3A_71 = arith.constant 0 : i32
      %dma_wait3A_72 = tpu.memref_slice %arg3[%mul3A_11, %dma_wait3A_71] : memref<160x2000xi32, #tpu.memory_space<hbm>> -> memref<5x2000xi32, #tpu.memory_space<hbm>>
      %dma_wait3A_73 = arith.constant 0 : i32
      %dma_wait3A_74 = tpu.memref_slice %arg3[%mul3A_11, %dma_wait3A_73] : memref<160x2000xi32, #tpu.memory_space<hbm>> -> memref<5x2000xi32, #tpu.memory_space<hbm>>
      tpu.wait_dma2 semaphore(%run_scoped3A_66 : memref<!tpu.dma_semaphore, #tpu.memory_space<semaphore_mem>>) src(%dma_wait3A_74 : memref<5x2000xi32, #tpu.memory_space<hbm>>) dst(%arg5 : memref<5x2000xi32, #tpu.memory_space<vmem>>)
      tpu.yield
    }) : () -> ()
    %barrier3A = arith.constant 0 : index
    tpu.barrier barrier_id(%barrier3A)
    %dma_start3A = arith.constant 0 : i32
    %dma_start3A_12 = tpu.memref_slice %arg2[%mul3A_2, %dma_start3A] : memref<320000x16xf32, #tpu.memory_space<hbm>> -> memref<2000x16xf32, #tpu.memory_space<hbm>>
    %dma_start3A_13 = arith.constant 0 : i32
    %dma_start3A_14 = tpu.memref_slice %arg2[%mul3A_2, %dma_start3A_13] : memref<320000x16xf32, #tpu.memory_space<hbm>> -> memref<2000x16xf32, #tpu.memory_space<hbm>>
    tpu.enqueue_dma source(%dma_start3A_14 : memref<2000x16xf32, #tpu.memory_space<hbm>>) target(%arg6 : memref<2000x16xf32, #tpu.memory_space<vmem>>) target_semaphore(%arg10 : memref<!tpu.dma_semaphore, #tpu.memory_space<semaphore_mem>>)
    %add3A_15 = arith.constant 2000 : i32
    %add3A_16 = arith.addi %mul3A_2, %add3A_15 : i32
    %dma_start3A_17 = arith.constant 0 : i32
    %dma_start3A_18 = tpu.memref_slice %arg2[%add3A_16, %dma_start3A_17] : memref<320000x16xf32, #tpu.memory_space<hbm>> -> memref<2000x16xf32, #tpu.memory_space<hbm>>
    %dma_start3A_19 = arith.constant 0 : i32
    %dma_start3A_20 = tpu.memref_slice %arg2[%add3A_16, %dma_start3A_19] : memref<320000x16xf32, #tpu.memory_space<hbm>> -> memref<2000x16xf32, #tpu.memory_space<hbm>>
    tpu.enqueue_dma source(%dma_start3A_20 : memref<2000x16xf32, #tpu.memory_space<hbm>>) target(%arg7 : memref<2000x16xf32, #tpu.memory_space<vmem>>) target_semaphore(%arg11 : memref<!tpu.dma_semaphore, #tpu.memory_space<semaphore_mem>>)
    %dma_wait3A = arith.constant 0 : i32
    %dma_wait3A_21 = tpu.memref_slice %arg2[%mul3A_2, %dma_wait3A] : memref<320000x16xf32, #tpu.memory_space<hbm>> -> memref<2000x16xf32, #tpu.memory_space<hbm>>
    %dma_wait3A_22 = arith.constant 0 : i32
    %dma_wait3A_23 = tpu.memref_slice %arg2[%mul3A_2, %dma_wait3A_22] : memref<320000x16xf32, #tpu.memory_space<hbm>> -> memref<2000x16xf32, #tpu.memory_space<hbm>>
    tpu.wait_dma2 semaphore(%arg10 : memref<!tpu.dma_semaphore, #tpu.memory_space<semaphore_mem>>) src(%dma_wait3A_23 : memref<2000x16xf32, #tpu.memory_space<hbm>>) dst(%arg6 : memref<2000x16xf32, #tpu.memory_space<vmem>>)
    %run_scoped3A = arith.constant 0 : i32
    "tpu.region"() ({
      %run_scoped3A_66 = tpu.sem_alloc : memref<!tpu.dma_semaphore, #tpu.memory_space<semaphore_mem>>
      %dma_start3A_67 = arith.constant 0 : i32
      %dma_start3A_68 = tpu.memref_slice %arg5[%run_scoped3A, %dma_start3A_67] : memref<5x2000xi32, #tpu.memory_space<vmem>> -> memref<1x2000xi32, #tpu.memory_space<vmem>>
      %dma_start3A_69 = tpu.memref_squeeze %dma_start3A_68 : memref<1x2000xi32, #tpu.memory_space<vmem>> -> memref<2000xi32, #tpu.memory_space<vmem>>
      %dma_start3A_70 = arith.constant 0 : i32
      %dma_start3A_71 = arith.constant 0 : i32
      %dma_start3A_72 = tpu.memref_slice %arg9[%dma_start3A_70, %dma_start3A_71] : memref<10240x16xf32, #tpu.memory_space<vmem_shared>> -> memref<10240x16xf32, #tpu.memory_space<vmem_shared>>
      tpu.enqueue_indirect_dma source(%arg6 : memref<2000x16xf32, #tpu.memory_space<vmem>>) target(%dma_start3A_72 : memref<10240x16xf32, #tpu.memory_space<vmem_shared>>) offsets(%dma_start3A_69 : memref<2000xi32, #tpu.memory_space<vmem>>) semaphore(%run_scoped3A_66 : memref<!tpu.dma_semaphore, #tpu.memory_space<semaphore_mem>>) {add = true}
      %dma_wait3A_73 = arith.constant 0 : i32
      %dma_wait3A_74 = tpu.memref_slice %arg5[%run_scoped3A, %dma_wait3A_73] : memref<5x2000xi32, #tpu.memory_space<vmem>> -> memref<1x2000xi32, #tpu.memory_space<vmem>>
      %dma_wait3A_75 = tpu.memref_squeeze %dma_wait3A_74 : memref<1x2000xi32, #tpu.memory_space<vmem>> -> memref<2000xi32, #tpu.memory_space<vmem>>
      %dma_wait3A_76 = arith.constant 0 : i32
      %dma_wait3A_77 = arith.constant 0 : i32
      %dma_wait3A_78 = tpu.memref_slice %arg9[%dma_wait3A_76, %dma_wait3A_77] : memref<10240x16xf32, #tpu.memory_space<vmem_shared>> -> memref<10240x16xf32, #tpu.memory_space<vmem_shared>>
      tpu.wait_indirect_dma semaphore(%run_scoped3A_66 : memref<!tpu.dma_semaphore, #tpu.memory_space<semaphore_mem>>) src(%arg6 : memref<2000x16xf32, #tpu.memory_space<vmem>>) dst(%dma_wait3A_78 : memref<10240x16xf32, #tpu.memory_space<vmem_shared>>)
      tpu.yield
    }) : () -> ()
    %add3A_24 = arith.constant 4000 : i32
    %add3A_25 = arith.addi %mul3A_2, %add3A_24 : i32
    %dma_start3A_26 = arith.constant 0 : i32
    %dma_start3A_27 = tpu.memref_slice %arg2[%add3A_25, %dma_start3A_26] : memref<320000x16xf32, #tpu.memory_space<hbm>> -> memref<2000x16xf32, #tpu.memory_space<hbm>>
    %dma_start3A_28 = arith.constant 0 : i32
    %dma_start3A_29 = tpu.memref_slice %arg2[%add3A_25, %dma_start3A_28] : memref<320000x16xf32, #tpu.memory_space<hbm>> -> memref<2000x16xf32, #tpu.memory_space<hbm>>
    tpu.enqueue_dma source(%dma_start3A_29 : memref<2000x16xf32, #tpu.memory_space<hbm>>) target(%arg6 : memref<2000x16xf32, #tpu.memory_space<vmem>>) target_semaphore(%arg10 : memref<!tpu.dma_semaphore, #tpu.memory_space<semaphore_mem>>)
    %dma_wait3A_30 = arith.constant 0 : i32
    %dma_wait3A_31 = tpu.memref_slice %arg2[%add3A_16, %dma_wait3A_30] : memref<320000x16xf32, #tpu.memory_space<hbm>> -> memref<2000x16xf32, #tpu.memory_space<hbm>>
    %dma_wait3A_32 = arith.constant 0 : i32
    %dma_wait3A_33 = tpu.memref_slice %arg2[%add3A_16, %dma_wait3A_32] : memref<320000x16xf32, #tpu.memory_space<hbm>> -> memref<2000x16xf32, #tpu.memory_space<hbm>>
    tpu.wait_dma2 semaphore(%arg11 : memref<!tpu.dma_semaphore, #tpu.memory_space<semaphore_mem>>) src(%dma_wait3A_33 : memref<2000x16xf32, #tpu.memory_space<hbm>>) dst(%arg7 : memref<2000x16xf32, #tpu.memory_space<vmem>>)
    %run_scoped3A_34 = arith.constant 1 : i32
    "tpu.region"() ({
      %run_scoped3A_66 = tpu.sem_alloc : memref<!tpu.dma_semaphore, #tpu.memory_space<semaphore_mem>>
      %dma_start3A_67 = arith.constant 0 : i32
      %dma_start3A_68 = tpu.memref_slice %arg5[%run_scoped3A_34, %dma_start3A_67] : memref<5x2000xi32, #tpu.memory_space<vmem>> -> memref<1x2000xi32, #tpu.memory_space<vmem>>
      %dma_start3A_69 = tpu.memref_squeeze %dma_start3A_68 : memref<1x2000xi32, #tpu.memory_space<vmem>> -> memref<2000xi32, #tpu.memory_space<vmem>>
      %dma_start3A_70 = arith.constant 0 : i32
      %dma_start3A_71 = arith.constant 0 : i32
      %dma_start3A_72 = tpu.memref_slice %arg9[%dma_start3A_70, %dma_start3A_71] : memref<10240x16xf32, #tpu.memory_space<vmem_shared>> -> memref<10240x16xf32, #tpu.memory_space<vmem_shared>>
      tpu.enqueue_indirect_dma source(%arg7 : memref<2000x16xf32, #tpu.memory_space<vmem>>) target(%dma_start3A_72 : memref<10240x16xf32, #tpu.memory_space<vmem_shared>>) offsets(%dma_start3A_69 : memref<2000xi32, #tpu.memory_space<vmem>>) semaphore(%run_scoped3A_66 : memref<!tpu.dma_semaphore, #tpu.memory_space<semaphore_mem>>) {add = true}
      %dma_wait3A_73 = arith.constant 0 : i32
      %dma_wait3A_74 = tpu.memref_slice %arg5[%run_scoped3A_34, %dma_wait3A_73] : memref<5x2000xi32, #tpu.memory_space<vmem>> -> memref<1x2000xi32, #tpu.memory_space<vmem>>
      %dma_wait3A_75 = tpu.memref_squeeze %dma_wait3A_74 : memref<1x2000xi32, #tpu.memory_space<vmem>> -> memref<2000xi32, #tpu.memory_space<vmem>>
      %dma_wait3A_76 = arith.constant 0 : i32
      %dma_wait3A_77 = arith.constant 0 : i32
      %dma_wait3A_78 = tpu.memref_slice %arg9[%dma_wait3A_76, %dma_wait3A_77] : memref<10240x16xf32, #tpu.memory_space<vmem_shared>> -> memref<10240x16xf32, #tpu.memory_space<vmem_shared>>
      tpu.wait_indirect_dma semaphore(%run_scoped3A_66 : memref<!tpu.dma_semaphore, #tpu.memory_space<semaphore_mem>>) src(%arg7 : memref<2000x16xf32, #tpu.memory_space<vmem>>) dst(%dma_wait3A_78 : memref<10240x16xf32, #tpu.memory_space<vmem_shared>>)
      tpu.yield
    }) : () -> ()
    %add3A_35 = arith.constant 6000 : i32
    %add3A_36 = arith.addi %mul3A_2, %add3A_35 : i32
    %dma_start3A_37 = arith.constant 0 : i32
    %dma_start3A_38 = tpu.memref_slice %arg2[%add3A_36, %dma_start3A_37] : memref<320000x16xf32, #tpu.memory_space<hbm>> -> memref<2000x16xf32, #tpu.memory_space<hbm>>
    %dma_start3A_39 = arith.constant 0 : i32
    %dma_start3A_40 = tpu.memref_slice %arg2[%add3A_36, %dma_start3A_39] : memref<320000x16xf32, #tpu.memory_space<hbm>> -> memref<2000x16xf32, #tpu.memory_space<hbm>>
    tpu.enqueue_dma source(%dma_start3A_40 : memref<2000x16xf32, #tpu.memory_space<hbm>>) target(%arg7 : memref<2000x16xf32, #tpu.memory_space<vmem>>) target_semaphore(%arg11 : memref<!tpu.dma_semaphore, #tpu.memory_space<semaphore_mem>>)
    %dma_wait3A_41 = arith.constant 0 : i32
    %dma_wait3A_42 = tpu.memref_slice %arg2[%add3A_25, %dma_wait3A_41] : memref<320000x16xf32, #tpu.memory_space<hbm>> -> memref<2000x16xf32, #tpu.memory_space<hbm>>
    %dma_wait3A_43 = arith.constant 0 : i32
    %dma_wait3A_44 = tpu.memref_slice %arg2[%add3A_25, %dma_wait3A_43] : memref<320000x16xf32, #tpu.memory_space<hbm>> -> memref<2000x16xf32, #tpu.memory_space<hbm>>
    tpu.wait_dma2 semaphore(%arg10 : memref<!tpu.dma_semaphore, #tpu.memory_space<semaphore_mem>>) src(%dma_wait3A_44 : memref<2000x16xf32, #tpu.memory_space<hbm>>) dst(%arg6 : memref<2000x16xf32, #tpu.memory_space<vmem>>)
    %run_scoped3A_45 = arith.constant 2 : i32
    "tpu.region"() ({
      %run_scoped3A_66 = tpu.sem_alloc : memref<!tpu.dma_semaphore, #tpu.memory_space<semaphore_mem>>
      %dma_start3A_67 = arith.constant 0 : i32
      %dma_start3A_68 = tpu.memref_slice %arg5[%run_scoped3A_45, %dma_start3A_67] : memref<5x2000xi32, #tpu.memory_space<vmem>> -> memref<1x2000xi32, #tpu.memory_space<vmem>>
      %dma_start3A_69 = tpu.memref_squeeze %dma_start3A_68 : memref<1x2000xi32, #tpu.memory_space<vmem>> -> memref<2000xi32, #tpu.memory_space<vmem>>
      %dma_start3A_70 = arith.constant 0 : i32
      %dma_start3A_71 = arith.constant 0 : i32
      %dma_start3A_72 = tpu.memref_slice %arg9[%dma_start3A_70, %dma_start3A_71] : memref<10240x16xf32, #tpu.memory_space<vmem_shared>> -> memref<10240x16xf32, #tpu.memory_space<vmem_shared>>
      tpu.enqueue_indirect_dma source(%arg6 : memref<2000x16xf32, #tpu.memory_space<vmem>>) target(%dma_start3A_72 : memref<10240x16xf32, #tpu.memory_space<vmem_shared>>) offsets(%dma_start3A_69 : memref<2000xi32, #tpu.memory_space<vmem>>) semaphore(%run_scoped3A_66 : memref<!tpu.dma_semaphore, #tpu.memory_space<semaphore_mem>>) {add = true}
      %dma_wait3A_73 = arith.constant 0 : i32
      %dma_wait3A_74 = tpu.memref_slice %arg5[%run_scoped3A_45, %dma_wait3A_73] : memref<5x2000xi32, #tpu.memory_space<vmem>> -> memref<1x2000xi32, #tpu.memory_space<vmem>>
      %dma_wait3A_75 = tpu.memref_squeeze %dma_wait3A_74 : memref<1x2000xi32, #tpu.memory_space<vmem>> -> memref<2000xi32, #tpu.memory_space<vmem>>
      %dma_wait3A_76 = arith.constant 0 : i32
      %dma_wait3A_77 = arith.constant 0 : i32
      %dma_wait3A_78 = tpu.memref_slice %arg9[%dma_wait3A_76, %dma_wait3A_77] : memref<10240x16xf32, #tpu.memory_space<vmem_shared>> -> memref<10240x16xf32, #tpu.memory_space<vmem_shared>>
      tpu.wait_indirect_dma semaphore(%run_scoped3A_66 : memref<!tpu.dma_semaphore, #tpu.memory_space<semaphore_mem>>) src(%arg6 : memref<2000x16xf32, #tpu.memory_space<vmem>>) dst(%dma_wait3A_78 : memref<10240x16xf32, #tpu.memory_space<vmem_shared>>)
      tpu.yield
    }) : () -> ()
    %add3A_46 = arith.constant 8000 : i32
    %add3A_47 = arith.addi %mul3A_2, %add3A_46 : i32
    %dma_start3A_48 = arith.constant 0 : i32
    %dma_start3A_49 = tpu.memref_slice %arg2[%add3A_47, %dma_start3A_48] : memref<320000x16xf32, #tpu.memory_space<hbm>> -> memref<2000x16xf32, #tpu.memory_space<hbm>>
    %dma_start3A_50 = arith.constant 0 : i32
    %dma_start3A_51 = tpu.memref_slice %arg2[%add3A_47, %dma_start3A_50] : memref<320000x16xf32, #tpu.memory_space<hbm>> -> memref<2000x16xf32, #tpu.memory_space<hbm>>
    tpu.enqueue_dma source(%dma_start3A_51 : memref<2000x16xf32, #tpu.memory_space<hbm>>) target(%arg6 : memref<2000x16xf32, #tpu.memory_space<vmem>>) target_semaphore(%arg10 : memref<!tpu.dma_semaphore, #tpu.memory_space<semaphore_mem>>)
    %dma_wait3A_52 = arith.constant 0 : i32
    %dma_wait3A_53 = tpu.memref_slice %arg2[%add3A_36, %dma_wait3A_52] : memref<320000x16xf32, #tpu.memory_space<hbm>> -> memref<2000x16xf32, #tpu.memory_space<hbm>>
    %dma_wait3A_54 = arith.constant 0 : i32
    %dma_wait3A_55 = tpu.memref_slice %arg2[%add3A_36, %dma_wait3A_54] : memref<320000x16xf32, #tpu.memory_space<hbm>> -> memref<2000x16xf32, #tpu.memory_space<hbm>>
    tpu.wait_dma2 semaphore(%arg11 : memref<!tpu.dma_semaphore, #tpu.memory_space<semaphore_mem>>) src(%dma_wait3A_55 : memref<2000x16xf32, #tpu.memory_space<hbm>>) dst(%arg7 : memref<2000x16xf32, #tpu.memory_space<vmem>>)
    %run_scoped3A_56 = arith.constant 3 : i32
    "tpu.region"() ({
      %run_scoped3A_66 = tpu.sem_alloc : memref<!tpu.dma_semaphore, #tpu.memory_space<semaphore_mem>>
      %dma_start3A_67 = arith.constant 0 : i32
      %dma_start3A_68 = tpu.memref_slice %arg5[%run_scoped3A_56, %dma_start3A_67] : memref<5x2000xi32, #tpu.memory_space<vmem>> -> memref<1x2000xi32, #tpu.memory_space<vmem>>
      %dma_start3A_69 = tpu.memref_squeeze %dma_start3A_68 : memref<1x2000xi32, #tpu.memory_space<vmem>> -> memref<2000xi32, #tpu.memory_space<vmem>>
      %dma_start3A_70 = arith.constant 0 : i32
      %dma_start3A_71 = arith.constant 0 : i32
      %dma_start3A_72 = tpu.memref_slice %arg9[%dma_start3A_70, %dma_start3A_71] : memref<10240x16xf32, #tpu.memory_space<vmem_shared>> -> memref<10240x16xf32, #tpu.memory_space<vmem_shared>>
      tpu.enqueue_indirect_dma source(%arg7 : memref<2000x16xf32, #tpu.memory_space<vmem>>) target(%dma_start3A_72 : memref<10240x16xf32, #tpu.memory_space<vmem_shared>>) offsets(%dma_start3A_69 : memref<2000xi32, #tpu.memory_space<vmem>>) semaphore(%run_scoped3A_66 : memref<!tpu.dma_semaphore, #tpu.memory_space<semaphore_mem>>) {add = true}
      %dma_wait3A_73 = arith.constant 0 : i32
      %dma_wait3A_74 = tpu.memref_slice %arg5[%run_scoped3A_56, %dma_wait3A_73] : memref<5x2000xi32, #tpu.memory_space<vmem>> -> memref<1x2000xi32, #tpu.memory_space<vmem>>
      %dma_wait3A_75 = tpu.memref_squeeze %dma_wait3A_74 : memref<1x2000xi32, #tpu.memory_space<vmem>> -> memref<2000xi32, #tpu.memory_space<vmem>>
      %dma_wait3A_76 = arith.constant 0 : i32
      %dma_wait3A_77 = arith.constant 0 : i32
      %dma_wait3A_78 = tpu.memref_slice %arg9[%dma_wait3A_76, %dma_wait3A_77] : memref<10240x16xf32, #tpu.memory_space<vmem_shared>> -> memref<10240x16xf32, #tpu.memory_space<vmem_shared>>
      tpu.wait_indirect_dma semaphore(%run_scoped3A_66 : memref<!tpu.dma_semaphore, #tpu.memory_space<semaphore_mem>>) src(%arg7 : memref<2000x16xf32, #tpu.memory_space<vmem>>) dst(%dma_wait3A_78 : memref<10240x16xf32, #tpu.memory_space<vmem_shared>>)
      tpu.yield
    }) : () -> ()
    %dma_wait3A_57 = arith.constant 0 : i32
    %dma_wait3A_58 = tpu.memref_slice %arg2[%add3A_47, %dma_wait3A_57] : memref<320000x16xf32, #tpu.memory_space<hbm>> -> memref<2000x16xf32, #tpu.memory_space<hbm>>
    %dma_wait3A_59 = arith.constant 0 : i32
    %dma_wait3A_60 = tpu.memref_slice %arg2[%add3A_47, %dma_wait3A_59] : memref<320000x16xf32, #tpu.memory_space<hbm>> -> memref<2000x16xf32, #tpu.memory_space<hbm>>
    tpu.wait_dma2 semaphore(%arg10 : memref<!tpu.dma_semaphore, #tpu.memory_space<semaphore_mem>>) src(%dma_wait3A_60 : memref<2000x16xf32, #tpu.memory_space<hbm>>) dst(%arg6 : memref<2000x16xf32, #tpu.memory_space<vmem>>)
    %run_scoped3A_61 = arith.constant 4 : i32
    "tpu.region"() ({
      %run_scoped3A_66 = tpu.sem_alloc : memref<!tpu.dma_semaphore, #tpu.memory_space<semaphore_mem>>
      %dma_start3A_67 = arith.constant 0 : i32
      %dma_start3A_68 = tpu.memref_slice %arg5[%run_scoped3A_61, %dma_start3A_67] : memref<5x2000xi32, #tpu.memory_space<vmem>> -> memref<1x2000xi32, #tpu.memory_space<vmem>>
      %dma_start3A_69 = tpu.memref_squeeze %dma_start3A_68 : memref<1x2000xi32, #tpu.memory_space<vmem>> -> memref<2000xi32, #tpu.memory_space<vmem>>
      %dma_start3A_70 = arith.constant 0 : i32
      %dma_start3A_71 = arith.constant 0 : i32
      %dma_start3A_72 = tpu.memref_slice %arg9[%dma_start3A_70, %dma_start3A_71] : memref<10240x16xf32, #tpu.memory_space<vmem_shared>> -> memref<10240x16xf32, #tpu.memory_space<vmem_shared>>
      tpu.enqueue_indirect_dma source(%arg6 : memref<2000x16xf32, #tpu.memory_space<vmem>>) target(%dma_start3A_72 : memref<10240x16xf32, #tpu.memory_space<vmem_shared>>) offsets(%dma_start3A_69 : memref<2000xi32, #tpu.memory_space<vmem>>) semaphore(%run_scoped3A_66 : memref<!tpu.dma_semaphore, #tpu.memory_space<semaphore_mem>>) {add = true}
      %dma_wait3A_73 = arith.constant 0 : i32
      %dma_wait3A_74 = tpu.memref_slice %arg5[%run_scoped3A_61, %dma_wait3A_73] : memref<5x2000xi32, #tpu.memory_space<vmem>> -> memref<1x2000xi32, #tpu.memory_space<vmem>>
      %dma_wait3A_75 = tpu.memref_squeeze %dma_wait3A_74 : memref<1x2000xi32, #tpu.memory_space<vmem>> -> memref<2000xi32, #tpu.memory_space<vmem>>
      %dma_wait3A_76 = arith.constant 0 : i32
      %dma_wait3A_77 = arith.constant 0 : i32
      %dma_wait3A_78 = tpu.memref_slice %arg9[%dma_wait3A_76, %dma_wait3A_77] : memref<10240x16xf32, #tpu.memory_space<vmem_shared>> -> memref<10240x16xf32, #tpu.memory_space<vmem_shared>>
      tpu.wait_indirect_dma semaphore(%run_scoped3A_66 : memref<!tpu.dma_semaphore, #tpu.memory_space<semaphore_mem>>) src(%arg6 : memref<2000x16xf32, #tpu.memory_space<vmem>>) dst(%dma_wait3A_78 : memref<10240x16xf32, #tpu.memory_space<vmem_shared>>)
      tpu.yield
    }) : () -> ()
    %barrier3A_62 = arith.constant 0 : index
    tpu.barrier barrier_id(%barrier3A_62)
    "tpu.region"() ({
      %run_scoped3A_66 = tpu.sem_alloc : memref<!tpu.dma_semaphore, #tpu.memory_space<semaphore_mem>>
      %dma_start3A_67 = arith.constant 0 : i32
      %dma_start3A_68 = tpu.memref_slice %arg9[%mul3A_4, %dma_start3A_67] : memref<10240x16xf32, #tpu.memory_space<vmem_shared>> -> memref<640x16xf32, #tpu.memory_space<vmem_shared>>
      %dma_start3A_69 = arith.constant 0 : i32
      %dma_start3A_70 = tpu.memref_slice %arg9[%mul3A_4, %dma_start3A_69] : memref<10240x16xf32, #tpu.memory_space<vmem_shared>> -> memref<640x16xf32, #tpu.memory_space<vmem_shared>>
      tpu.enqueue_dma source(%dma_start3A_70 : memref<640x16xf32, #tpu.memory_space<vmem_shared>>) target(%arg8 : memref<640x16xf32, #tpu.memory_space<vmem>>) target_semaphore(%run_scoped3A_66 : memref<!tpu.dma_semaphore, #tpu.memory_space<semaphore_mem>>)
      %dma_wait3A_71 = arith.constant 0 : i32
      %dma_wait3A_72 = tpu.memref_slice %arg9[%mul3A_4, %dma_wait3A_71] : memref<10240x16xf32, #tpu.memory_space<vmem_shared>> -> memref<640x16xf32, #tpu.memory_space<vmem_shared>>
      %dma_wait3A_73 = arith.constant 0 : i32
      %dma_wait3A_74 = tpu.memref_slice %arg9[%mul3A_4, %dma_wait3A_73] : memref<10240x16xf32, #tpu.memory_space<vmem_shared>> -> memref<640x16xf32, #tpu.memory_space<vmem_shared>>
      tpu.wait_dma2 semaphore(%run_scoped3A_66 : memref<!tpu.dma_semaphore, #tpu.memory_space<semaphore_mem>>) src(%dma_wait3A_74 : memref<640x16xf32, #tpu.memory_space<vmem_shared>>) dst(%arg8 : memref<640x16xf32, #tpu.memory_space<vmem>>)
      tpu.yield
    }) : () -> ()
    %mul3A_63 = arith.constant 10240 : i32
    %mul3A_64 = arith.muli %arg0, %mul3A_63 : i32
    %add3A_65 = arith.addi %mul3A_64, %mul3A_4 : i32
    "tpu.region"() ({
      %run_scoped3A_66 = tpu.sem_alloc : memref<!tpu.dma_semaphore, #tpu.memory_space<semaphore_mem>>
      %dma_start3A_67 = arith.constant 0 : i32
      %dma_start3A_68 = tpu.memref_slice %arg4[%add3A_65, %dma_start3A_67] : memref<20480x16xf32, #tpu.memory_space<hbm>> -> memref<640x16xf32, #tpu.memory_space<hbm>>
      %dma_start3A_69 = arith.constant 0 : i32
      %dma_start3A_70 = tpu.memref_slice %arg4[%add3A_65, %dma_start3A_69] : memref<20480x16xf32, #tpu.memory_space<hbm>> -> memref<640x16xf32, #tpu.memory_space<hbm>>
      tpu.enqueue_dma source(%arg8 : memref<640x16xf32, #tpu.memory_space<vmem>>) target(%dma_start3A_70 : memref<640x16xf32, #tpu.memory_space<hbm>>) target_semaphore(%run_scoped3A_66 : memref<!tpu.dma_semaphore, #tpu.memory_space<semaphore_mem>>)
      %dma_wait3A_71 = arith.constant 0 : i32
      %dma_wait3A_72 = tpu.memref_slice %arg4[%add3A_65, %dma_wait3A_71] : memref<20480x16xf32, #tpu.memory_space<hbm>> -> memref<640x16xf32, #tpu.memory_space<hbm>>
      %dma_wait3A_73 = arith.constant 0 : i32
      %dma_wait3A_74 = tpu.memref_slice %arg4[%add3A_65, %dma_wait3A_73] : memref<20480x16xf32, #tpu.memory_space<hbm>> -> memref<640x16xf32, #tpu.memory_space<hbm>>
      tpu.wait_dma2 semaphore(%run_scoped3A_66 : memref<!tpu.dma_semaphore, #tpu.memory_space<semaphore_mem>>) src(%arg8 : memref<640x16xf32, #tpu.memory_space<vmem>>) dst(%dma_wait3A_74 : memref<640x16xf32, #tpu.memory_space<hbm>>)
      tpu.yield
    }) : () -> ()
    return
  }
}

#map = affine_map<(d0, d1) -> (0, 0)>
module attributes {stable_mosaic.version = 14 : i64} {
  func.func @_gather_body(%arg0: i32, %arg1: i32, %arg2: memref<10000x16xf32, #tpu.memory_space<hbm>>, %arg3: memref<160x2000xi32, #tpu.memory_space<hbm>>, %arg4: memref<320000x16xf32, #tpu.memory_space<hbm>>, %arg5: memref<5x2000xi32, #tpu.memory_space<vmem>>, %arg6: memref<2000x16xf32, #tpu.memory_space<vmem>>, %arg7: memref<2000x16xf32, #tpu.memory_space<vmem>>, %arg8: memref<!tpu.dma_semaphore, #tpu.memory_space<semaphore_mem>>, %arg9: memref<!tpu.dma_semaphore, #tpu.memory_space<semaphore_mem>>, %arg10: memref<!tpu.dma_semaphore, #tpu.memory_space<semaphore_mem>>, %arg11: memref<!tpu.dma_semaphore, #tpu.memory_space<semaphore_mem>>) attributes {dimension_semantics = [#tpu.dimension_semantics<core_parallel>, #tpu.dimension_semantics<subcore_parallel>], iteration_bounds = array<i64: 2, 16>, scalar_prefetch = 0 : i64, scratch_operands = 7 : i64, tpu.core_type = #tpu.core_type<sc_vector_subcore>, window_params = [{transform_indices = #map}, {transform_indices = #map}, {transform_indices = #map}]} {
    %mul3A = arith.constant 2 : i32
    %mul3A_0 = arith.muli %arg1, %mul3A : i32
    %add3A = arith.addi %mul3A_0, %arg0 : i32
    %mul3A_1 = arith.constant 10000 : i32
    %mul3A_2 = arith.muli %add3A, %mul3A_1 : i32
    %mul3A_3 = arith.constant 5 : i32
    %mul3A_4 = arith.muli %add3A, %mul3A_3 : i32
    "tpu.region"() ({
      %run_scoped3A = tpu.sem_alloc : memref<!tpu.dma_semaphore, #tpu.memory_space<semaphore_mem>>
      %dma_start3A_123 = arith.constant 0 : i32
      %dma_start3A_124 = tpu.memref_slice %arg3[%mul3A_4, %dma_start3A_123] : memref<160x2000xi32, #tpu.memory_space<hbm>> -> memref<5x2000xi32, #tpu.memory_space<hbm>>
      %dma_start3A_125 = arith.constant 0 : i32
      %dma_start3A_126 = tpu.memref_slice %arg3[%mul3A_4, %dma_start3A_125] : memref<160x2000xi32, #tpu.memory_space<hbm>> -> memref<5x2000xi32, #tpu.memory_space<hbm>>
      tpu.enqueue_dma source(%dma_start3A_126 : memref<5x2000xi32, #tpu.memory_space<hbm>>) target(%arg5 : memref<5x2000xi32, #tpu.memory_space<vmem>>) target_semaphore(%run_scoped3A : memref<!tpu.dma_semaphore, #tpu.memory_space<semaphore_mem>>)
      %dma_wait3A_127 = arith.constant 0 : i32
      %dma_wait3A_128 = tpu.memref_slice %arg3[%mul3A_4, %dma_wait3A_127] : memref<160x2000xi32, #tpu.memory_space<hbm>> -> memref<5x2000xi32, #tpu.memory_space<hbm>>
      %dma_wait3A_129 = arith.constant 0 : i32
      %dma_wait3A_130 = tpu.memref_slice %arg3[%mul3A_4, %dma_wait3A_129] : memref<160x2000xi32, #tpu.memory_space<hbm>> -> memref<5x2000xi32, #tpu.memory_space<hbm>>
      tpu.wait_dma2 semaphore(%run_scoped3A : memref<!tpu.dma_semaphore, #tpu.memory_space<semaphore_mem>>) src(%dma_wait3A_130 : memref<5x2000xi32, #tpu.memory_space<hbm>>) dst(%arg5 : memref<5x2000xi32, #tpu.memory_space<vmem>>)
      tpu.yield
    }) : () -> ()
    %dma_start3A = arith.constant 0 : i32
    %dma_start3A_5 = arith.constant 0 : i32
    %dma_start3A_6 = tpu.memref_slice %arg5[%dma_start3A, %dma_start3A_5] : memref<5x2000xi32, #tpu.memory_space<vmem>> -> memref<1x2000xi32, #tpu.memory_space<vmem>>
    %dma_start3A_7 = tpu.memref_squeeze %dma_start3A_6 : memref<1x2000xi32, #tpu.memory_space<vmem>> -> memref<2000xi32, #tpu.memory_space<vmem>>
    %dma_start3A_8 = arith.constant 0 : i32
    %dma_start3A_9 = arith.constant 0 : i32
    %dma_start3A_10 = tpu.memref_slice %arg2[%dma_start3A_8, %dma_start3A_9] : memref<10000x16xf32, #tpu.memory_space<hbm>> -> memref<10000x16xf32, #tpu.memory_space<hbm>>
    tpu.enqueue_indirect_dma source(%dma_start3A_10 : memref<10000x16xf32, #tpu.memory_space<hbm>>) target(%arg6 : memref<2000x16xf32, #tpu.memory_space<vmem>>) offsets(%dma_start3A_7 : memref<2000xi32, #tpu.memory_space<vmem>>) semaphore(%arg8 : memref<!tpu.dma_semaphore, #tpu.memory_space<semaphore_mem>>)
    %dma_wait3A = arith.constant 0 : i32
    %dma_wait3A_11 = arith.constant 0 : i32
    %dma_wait3A_12 = tpu.memref_slice %arg5[%dma_wait3A, %dma_wait3A_11] : memref<5x2000xi32, #tpu.memory_space<vmem>> -> memref<1x2000xi32, #tpu.memory_space<vmem>>
    %dma_wait3A_13 = tpu.memref_squeeze %dma_wait3A_12 : memref<1x2000xi32, #tpu.memory_space<vmem>> -> memref<2000xi32, #tpu.memory_space<vmem>>
    %dma_wait3A_14 = arith.constant 0 : i32
    %dma_wait3A_15 = arith.constant 0 : i32
    %dma_wait3A_16 = tpu.memref_slice %arg2[%dma_wait3A_14, %dma_wait3A_15] : memref<10000x16xf32, #tpu.memory_space<hbm>> -> memref<10000x16xf32, #tpu.memory_space<hbm>>
    tpu.wait_indirect_dma semaphore(%arg8 : memref<!tpu.dma_semaphore, #tpu.memory_space<semaphore_mem>>) src(%dma_wait3A_16 : memref<10000x16xf32, #tpu.memory_space<hbm>>) dst(%arg6 : memref<2000x16xf32, #tpu.memory_space<vmem>>)
    %dma_start3A_17 = arith.constant 1 : i32
    %dma_start3A_18 = arith.constant 0 : i32
    %dma_start3A_19 = tpu.memref_slice %arg5[%dma_start3A_17, %dma_start3A_18] : memref<5x2000xi32, #tpu.memory_space<vmem>> -> memref<1x2000xi32, #tpu.memory_space<vmem>>
    %dma_start3A_20 = tpu.memref_squeeze %dma_start3A_19 : memref<1x2000xi32, #tpu.memory_space<vmem>> -> memref<2000xi32, #tpu.memory_space<vmem>>
    %dma_start3A_21 = arith.constant 0 : i32
    %dma_start3A_22 = arith.constant 0 : i32
    %dma_start3A_23 = tpu.memref_slice %arg2[%dma_start3A_21, %dma_start3A_22] : memref<10000x16xf32, #tpu.memory_space<hbm>> -> memref<10000x16xf32, #tpu.memory_space<hbm>>
    tpu.enqueue_indirect_dma source(%dma_start3A_23 : memref<10000x16xf32, #tpu.memory_space<hbm>>) target(%arg7 : memref<2000x16xf32, #tpu.memory_space<vmem>>) offsets(%dma_start3A_20 : memref<2000xi32, #tpu.memory_space<vmem>>) semaphore(%arg9 : memref<!tpu.dma_semaphore, #tpu.memory_space<semaphore_mem>>)
    %add3A_24 = arith.constant 0 : i32
    %add3A_25 = arith.addi %mul3A_2, %add3A_24 : i32
    %dma_start3A_26 = arith.constant 0 : i32
    %dma_start3A_27 = tpu.memref_slice %arg4[%add3A_25, %dma_start3A_26] : memref<320000x16xf32, #tpu.memory_space<hbm>> -> memref<2000x16xf32, #tpu.memory_space<hbm>>
    %dma_start3A_28 = arith.constant 0 : i32
    %dma_start3A_29 = tpu.memref_slice %arg4[%add3A_25, %dma_start3A_28] : memref<320000x16xf32, #tpu.memory_space<hbm>> -> memref<2000x16xf32, #tpu.memory_space<hbm>>
    tpu.enqueue_dma source(%arg6 : memref<2000x16xf32, #tpu.memory_space<vmem>>) target(%dma_start3A_29 : memref<2000x16xf32, #tpu.memory_space<hbm>>) target_semaphore(%arg10 : memref<!tpu.dma_semaphore, #tpu.memory_space<semaphore_mem>>)
    %dma_wait3A_30 = arith.constant 1 : i32
    %dma_wait3A_31 = arith.constant 0 : i32
    %dma_wait3A_32 = tpu.memref_slice %arg5[%dma_wait3A_30, %dma_wait3A_31] : memref<5x2000xi32, #tpu.memory_space<vmem>> -> memref<1x2000xi32, #tpu.memory_space<vmem>>
    %dma_wait3A_33 = tpu.memref_squeeze %dma_wait3A_32 : memref<1x2000xi32, #tpu.memory_space<vmem>> -> memref<2000xi32, #tpu.memory_space<vmem>>
    %dma_wait3A_34 = arith.constant 0 : i32
    %dma_wait3A_35 = arith.constant 0 : i32
    %dma_wait3A_36 = tpu.memref_slice %arg2[%dma_wait3A_34, %dma_wait3A_35] : memref<10000x16xf32, #tpu.memory_space<hbm>> -> memref<10000x16xf32, #tpu.memory_space<hbm>>
    tpu.wait_indirect_dma semaphore(%arg9 : memref<!tpu.dma_semaphore, #tpu.memory_space<semaphore_mem>>) src(%dma_wait3A_36 : memref<10000x16xf32, #tpu.memory_space<hbm>>) dst(%arg7 : memref<2000x16xf32, #tpu.memory_space<vmem>>)
    %dma_wait3A_37 = arith.constant 0 : i32
    %dma_wait3A_38 = tpu.memref_slice %arg4[%add3A_25, %dma_wait3A_37] : memref<320000x16xf32, #tpu.memory_space<hbm>> -> memref<2000x16xf32, #tpu.memory_space<hbm>>
    %dma_wait3A_39 = arith.constant 0 : i32
    %dma_wait3A_40 = tpu.memref_slice %arg4[%add3A_25, %dma_wait3A_39] : memref<320000x16xf32, #tpu.memory_space<hbm>> -> memref<2000x16xf32, #tpu.memory_space<hbm>>
    tpu.wait_dma2 semaphore(%arg10 : memref<!tpu.dma_semaphore, #tpu.memory_space<semaphore_mem>>) src(%arg6 : memref<2000x16xf32, #tpu.memory_space<vmem>>) dst(%dma_wait3A_40 : memref<2000x16xf32, #tpu.memory_space<hbm>>)
    %dma_start3A_41 = arith.constant 2 : i32
    %dma_start3A_42 = arith.constant 0 : i32
    %dma_start3A_43 = tpu.memref_slice %arg5[%dma_start3A_41, %dma_start3A_42] : memref<5x2000xi32, #tpu.memory_space<vmem>> -> memref<1x2000xi32, #tpu.memory_space<vmem>>
    %dma_start3A_44 = tpu.memref_squeeze %dma_start3A_43 : memref<1x2000xi32, #tpu.memory_space<vmem>> -> memref<2000xi32, #tpu.memory_space<vmem>>
    %dma_start3A_45 = arith.constant 0 : i32
    %dma_start3A_46 = arith.constant 0 : i32
    %dma_start3A_47 = tpu.memref_slice %arg2[%dma_start3A_45, %dma_start3A_46] : memref<10000x16xf32, #tpu.memory_space<hbm>> -> memref<10000x16xf32, #tpu.memory_space<hbm>>
    tpu.enqueue_indirect_dma source(%dma_start3A_47 : memref<10000x16xf32, #tpu.memory_space<hbm>>) target(%arg6 : memref<2000x16xf32, #tpu.memory_space<vmem>>) offsets(%dma_start3A_44 : memref<2000xi32, #tpu.memory_space<vmem>>) semaphore(%arg8 : memref<!tpu.dma_semaphore, #tpu.memory_space<semaphore_mem>>)
    %add3A_48 = arith.constant 2000 : i32
    %add3A_49 = arith.addi %mul3A_2, %add3A_48 : i32
    %dma_start3A_50 = arith.constant 0 : i32
    %dma_start3A_51 = tpu.memref_slice %arg4[%add3A_49, %dma_start3A_50] : memref<320000x16xf32, #tpu.memory_space<hbm>> -> memref<2000x16xf32, #tpu.memory_space<hbm>>
    %dma_start3A_52 = arith.constant 0 : i32
    %dma_start3A_53 = tpu.memref_slice %arg4[%add3A_49, %dma_start3A_52] : memref<320000x16xf32, #tpu.memory_space<hbm>> -> memref<2000x16xf32, #tpu.memory_space<hbm>>
    tpu.enqueue_dma source(%arg7 : memref<2000x16xf32, #tpu.memory_space<vmem>>) target(%dma_start3A_53 : memref<2000x16xf32, #tpu.memory_space<hbm>>) target_semaphore(%arg11 : memref<!tpu.dma_semaphore, #tpu.memory_space<semaphore_mem>>)
    %dma_wait3A_54 = arith.constant 2 : i32
    %dma_wait3A_55 = arith.constant 0 : i32
    %dma_wait3A_56 = tpu.memref_slice %arg5[%dma_wait3A_54, %dma_wait3A_55] : memref<5x2000xi32, #tpu.memory_space<vmem>> -> memref<1x2000xi32, #tpu.memory_space<vmem>>
    %dma_wait3A_57 = tpu.memref_squeeze %dma_wait3A_56 : memref<1x2000xi32, #tpu.memory_space<vmem>> -> memref<2000xi32, #tpu.memory_space<vmem>>
    %dma_wait3A_58 = arith.constant 0 : i32
    %dma_wait3A_59 = arith.constant 0 : i32
    %dma_wait3A_60 = tpu.memref_slice %arg2[%dma_wait3A_58, %dma_wait3A_59] : memref<10000x16xf32, #tpu.memory_space<hbm>> -> memref<10000x16xf32, #tpu.memory_space<hbm>>
    tpu.wait_indirect_dma semaphore(%arg8 : memref<!tpu.dma_semaphore, #tpu.memory_space<semaphore_mem>>) src(%dma_wait3A_60 : memref<10000x16xf32, #tpu.memory_space<hbm>>) dst(%arg6 : memref<2000x16xf32, #tpu.memory_space<vmem>>)
    %dma_wait3A_61 = arith.constant 0 : i32
    %dma_wait3A_62 = tpu.memref_slice %arg4[%add3A_49, %dma_wait3A_61] : memref<320000x16xf32, #tpu.memory_space<hbm>> -> memref<2000x16xf32, #tpu.memory_space<hbm>>
    %dma_wait3A_63 = arith.constant 0 : i32
    %dma_wait3A_64 = tpu.memref_slice %arg4[%add3A_49, %dma_wait3A_63] : memref<320000x16xf32, #tpu.memory_space<hbm>> -> memref<2000x16xf32, #tpu.memory_space<hbm>>
    tpu.wait_dma2 semaphore(%arg11 : memref<!tpu.dma_semaphore, #tpu.memory_space<semaphore_mem>>) src(%arg7 : memref<2000x16xf32, #tpu.memory_space<vmem>>) dst(%dma_wait3A_64 : memref<2000x16xf32, #tpu.memory_space<hbm>>)
    %dma_start3A_65 = arith.constant 3 : i32
    %dma_start3A_66 = arith.constant 0 : i32
    %dma_start3A_67 = tpu.memref_slice %arg5[%dma_start3A_65, %dma_start3A_66] : memref<5x2000xi32, #tpu.memory_space<vmem>> -> memref<1x2000xi32, #tpu.memory_space<vmem>>
    %dma_start3A_68 = tpu.memref_squeeze %dma_start3A_67 : memref<1x2000xi32, #tpu.memory_space<vmem>> -> memref<2000xi32, #tpu.memory_space<vmem>>
    %dma_start3A_69 = arith.constant 0 : i32
    %dma_start3A_70 = arith.constant 0 : i32
    %dma_start3A_71 = tpu.memref_slice %arg2[%dma_start3A_69, %dma_start3A_70] : memref<10000x16xf32, #tpu.memory_space<hbm>> -> memref<10000x16xf32, #tpu.memory_space<hbm>>
    tpu.enqueue_indirect_dma source(%dma_start3A_71 : memref<10000x16xf32, #tpu.memory_space<hbm>>) target(%arg7 : memref<2000x16xf32, #tpu.memory_space<vmem>>) offsets(%dma_start3A_68 : memref<2000xi32, #tpu.memory_space<vmem>>) semaphore(%arg9 : memref<!tpu.dma_semaphore, #tpu.memory_space<semaphore_mem>>)
    %add3A_72 = arith.constant 4000 : i32
    %add3A_73 = arith.addi %mul3A_2, %add3A_72 : i32
    %dma_start3A_74 = arith.constant 0 : i32
    %dma_start3A_75 = tpu.memref_slice %arg4[%add3A_73, %dma_start3A_74] : memref<320000x16xf32, #tpu.memory_space<hbm>> -> memref<2000x16xf32, #tpu.memory_space<hbm>>
    %dma_start3A_76 = arith.constant 0 : i32
    %dma_start3A_77 = tpu.memref_slice %arg4[%add3A_73, %dma_start3A_76] : memref<320000x16xf32, #tpu.memory_space<hbm>> -> memref<2000x16xf32, #tpu.memory_space<hbm>>
    tpu.enqueue_dma source(%arg6 : memref<2000x16xf32, #tpu.memory_space<vmem>>) target(%dma_start3A_77 : memref<2000x16xf32, #tpu.memory_space<hbm>>) target_semaphore(%arg10 : memref<!tpu.dma_semaphore, #tpu.memory_space<semaphore_mem>>)
    %dma_wait3A_78 = arith.constant 3 : i32
    %dma_wait3A_79 = arith.constant 0 : i32
    %dma_wait3A_80 = tpu.memref_slice %arg5[%dma_wait3A_78, %dma_wait3A_79] : memref<5x2000xi32, #tpu.memory_space<vmem>> -> memref<1x2000xi32, #tpu.memory_space<vmem>>
    %dma_wait3A_81 = tpu.memref_squeeze %dma_wait3A_80 : memref<1x2000xi32, #tpu.memory_space<vmem>> -> memref<2000xi32, #tpu.memory_space<vmem>>
    %dma_wait3A_82 = arith.constant 0 : i32
    %dma_wait3A_83 = arith.constant 0 : i32
    %dma_wait3A_84 = tpu.memref_slice %arg2[%dma_wait3A_82, %dma_wait3A_83] : memref<10000x16xf32, #tpu.memory_space<hbm>> -> memref<10000x16xf32, #tpu.memory_space<hbm>>
    tpu.wait_indirect_dma semaphore(%arg9 : memref<!tpu.dma_semaphore, #tpu.memory_space<semaphore_mem>>) src(%dma_wait3A_84 : memref<10000x16xf32, #tpu.memory_space<hbm>>) dst(%arg7 : memref<2000x16xf32, #tpu.memory_space<vmem>>)
    %dma_wait3A_85 = arith.constant 0 : i32
    %dma_wait3A_86 = tpu.memref_slice %arg4[%add3A_73, %dma_wait3A_85] : memref<320000x16xf32, #tpu.memory_space<hbm>> -> memref<2000x16xf32, #tpu.memory_space<hbm>>
    %dma_wait3A_87 = arith.constant 0 : i32
    %dma_wait3A_88 = tpu.memref_slice %arg4[%add3A_73, %dma_wait3A_87] : memref<320000x16xf32, #tpu.memory_space<hbm>> -> memref<2000x16xf32, #tpu.memory_space<hbm>>
    tpu.wait_dma2 semaphore(%arg10 : memref<!tpu.dma_semaphore, #tpu.memory_space<semaphore_mem>>) src(%arg6 : memref<2000x16xf32, #tpu.memory_space<vmem>>) dst(%dma_wait3A_88 : memref<2000x16xf32, #tpu.memory_space<hbm>>)
    %dma_start3A_89 = arith.constant 4 : i32
    %dma_start3A_90 = arith.constant 0 : i32
    %dma_start3A_91 = tpu.memref_slice %arg5[%dma_start3A_89, %dma_start3A_90] : memref<5x2000xi32, #tpu.memory_space<vmem>> -> memref<1x2000xi32, #tpu.memory_space<vmem>>
    %dma_start3A_92 = tpu.memref_squeeze %dma_start3A_91 : memref<1x2000xi32, #tpu.memory_space<vmem>> -> memref<2000xi32, #tpu.memory_space<vmem>>
    %dma_start3A_93 = arith.constant 0 : i32
    %dma_start3A_94 = arith.constant 0 : i32
    %dma_start3A_95 = tpu.memref_slice %arg2[%dma_start3A_93, %dma_start3A_94] : memref<10000x16xf32, #tpu.memory_space<hbm>> -> memref<10000x16xf32, #tpu.memory_space<hbm>>
    tpu.enqueue_indirect_dma source(%dma_start3A_95 : memref<10000x16xf32, #tpu.memory_space<hbm>>) target(%arg6 : memref<2000x16xf32, #tpu.memory_space<vmem>>) offsets(%dma_start3A_92 : memref<2000xi32, #tpu.memory_space<vmem>>) semaphore(%arg8 : memref<!tpu.dma_semaphore, #tpu.memory_space<semaphore_mem>>)
    %add3A_96 = arith.constant 6000 : i32
    %add3A_97 = arith.addi %mul3A_2, %add3A_96 : i32
    %dma_start3A_98 = arith.constant 0 : i32
    %dma_start3A_99 = tpu.memref_slice %arg4[%add3A_97, %dma_start3A_98] : memref<320000x16xf32, #tpu.memory_space<hbm>> -> memref<2000x16xf32, #tpu.memory_space<hbm>>
    %dma_start3A_100 = arith.constant 0 : i32
    %dma_start3A_101 = tpu.memref_slice %arg4[%add3A_97, %dma_start3A_100] : memref<320000x16xf32, #tpu.memory_space<hbm>> -> memref<2000x16xf32, #tpu.memory_space<hbm>>
    tpu.enqueue_dma source(%arg7 : memref<2000x16xf32, #tpu.memory_space<vmem>>) target(%dma_start3A_101 : memref<2000x16xf32, #tpu.memory_space<hbm>>) target_semaphore(%arg11 : memref<!tpu.dma_semaphore, #tpu.memory_space<semaphore_mem>>)
    %dma_wait3A_102 = arith.constant 4 : i32
    %dma_wait3A_103 = arith.constant 0 : i32
    %dma_wait3A_104 = tpu.memref_slice %arg5[%dma_wait3A_102, %dma_wait3A_103] : memref<5x2000xi32, #tpu.memory_space<vmem>> -> memref<1x2000xi32, #tpu.memory_space<vmem>>
    %dma_wait3A_105 = tpu.memref_squeeze %dma_wait3A_104 : memref<1x2000xi32, #tpu.memory_space<vmem>> -> memref<2000xi32, #tpu.memory_space<vmem>>
    %dma_wait3A_106 = arith.constant 0 : i32
    %dma_wait3A_107 = arith.constant 0 : i32
    %dma_wait3A_108 = tpu.memref_slice %arg2[%dma_wait3A_106, %dma_wait3A_107] : memref<10000x16xf32, #tpu.memory_space<hbm>> -> memref<10000x16xf32, #tpu.memory_space<hbm>>
    tpu.wait_indirect_dma semaphore(%arg8 : memref<!tpu.dma_semaphore, #tpu.memory_space<semaphore_mem>>) src(%dma_wait3A_108 : memref<10000x16xf32, #tpu.memory_space<hbm>>) dst(%arg6 : memref<2000x16xf32, #tpu.memory_space<vmem>>)
    %add3A_109 = arith.constant 8000 : i32
    %add3A_110 = arith.addi %mul3A_2, %add3A_109 : i32
    %dma_start3A_111 = arith.constant 0 : i32
    %dma_start3A_112 = tpu.memref_slice %arg4[%add3A_110, %dma_start3A_111] : memref<320000x16xf32, #tpu.memory_space<hbm>> -> memref<2000x16xf32, #tpu.memory_space<hbm>>
    %dma_start3A_113 = arith.constant 0 : i32
    %dma_start3A_114 = tpu.memref_slice %arg4[%add3A_110, %dma_start3A_113] : memref<320000x16xf32, #tpu.memory_space<hbm>> -> memref<2000x16xf32, #tpu.memory_space<hbm>>
    tpu.enqueue_dma source(%arg6 : memref<2000x16xf32, #tpu.memory_space<vmem>>) target(%dma_start3A_114 : memref<2000x16xf32, #tpu.memory_space<hbm>>) target_semaphore(%arg10 : memref<!tpu.dma_semaphore, #tpu.memory_space<semaphore_mem>>)
    %dma_wait3A_115 = arith.constant 0 : i32
    %dma_wait3A_116 = tpu.memref_slice %arg4[%add3A_110, %dma_wait3A_115] : memref<320000x16xf32, #tpu.memory_space<hbm>> -> memref<2000x16xf32, #tpu.memory_space<hbm>>
    %dma_wait3A_117 = arith.constant 0 : i32
    %dma_wait3A_118 = tpu.memref_slice %arg4[%add3A_110, %dma_wait3A_117] : memref<320000x16xf32, #tpu.memory_space<hbm>> -> memref<2000x16xf32, #tpu.memory_space<hbm>>
    tpu.wait_dma2 semaphore(%arg10 : memref<!tpu.dma_semaphore, #tpu.memory_space<semaphore_mem>>) src(%arg6 : memref<2000x16xf32, #tpu.memory_space<vmem>>) dst(%dma_wait3A_118 : memref<2000x16xf32, #tpu.memory_space<hbm>>)
    %dma_wait3A_119 = arith.constant 0 : i32
    %dma_wait3A_120 = tpu.memref_slice %arg4[%add3A_97, %dma_wait3A_119] : memref<320000x16xf32, #tpu.memory_space<hbm>> -> memref<2000x16xf32, #tpu.memory_space<hbm>>
    %dma_wait3A_121 = arith.constant 0 : i32
    %dma_wait3A_122 = tpu.memref_slice %arg4[%add3A_97, %dma_wait3A_121] : memref<320000x16xf32, #tpu.memory_space<hbm>> -> memref<2000x16xf32, #tpu.memory_space<hbm>>
    tpu.wait_dma2 semaphore(%arg11 : memref<!tpu.dma_semaphore, #tpu.memory_space<semaphore_mem>>) src(%arg7 : memref<2000x16xf32, #tpu.memory_space<vmem>>) dst(%dma_wait3A_122 : memref<2000x16xf32, #tpu.memory_space<hbm>>)
    return
  }
}

module attributes {stable_mosaic.version = 14 : i64} {
  func.func @_dense_body(%arg0: i32, %arg1: memref<400x128xf32, #tpu.memory_space<vmem>>, %arg2: memref<400x128xf32, #tpu.memory_space<vmem>>, %arg3: memref<128x2048xf32, #tpu.memory_space<vmem>>, %arg4: memref<1x256xf32, #tpu.memory_space<vmem>>, %arg5: memref<256x256xf32, #tpu.memory_space<vmem>>, %arg6: memref<128x128xf32, #tpu.memory_space<vmem>>, %arg7: memref<128x2048xf32, #tpu.memory_space<vmem>>, %arg8: memref<8x256x128xf32, #tpu.memory_space<vmem>>, %arg9: memref<400x128xf32, #tpu.memory_space<vmem>>) attributes {dimension_semantics = [#tpu.dimension_semantics<arbitrary>], iteration_bounds = array<i64: 100>, scalar_prefetch = 0 : i64, scratch_operands = 0 : i64, tpu.core_type = #tpu.core_type<tc>, window_params = [{transform_indices = @transform_0, window_bounds = array<i64: 400, 128>}, {transform_indices = @transform_1, window_bounds = array<i64: 400, 128>}, {pipeline_mode = #tpu.pipeline_mode<synchronous>, transform_indices = @transform_2, window_bounds = array<i64: 128, 2048>}, {pipeline_mode = #tpu.pipeline_mode<synchronous>, transform_indices = @transform_3, window_bounds = array<i64: 1, 256>}, {pipeline_mode = #tpu.pipeline_mode<synchronous>, transform_indices = @transform_4, window_bounds = array<i64: 256, 256>}, {pipeline_mode = #tpu.pipeline_mode<synchronous>, transform_indices = @transform_5, window_bounds = array<i64: 128, 128>}, {pipeline_mode = #tpu.pipeline_mode<synchronous>, transform_indices = @transform_6, window_bounds = array<i64: 128, 2048>}, {pipeline_mode = #tpu.pipeline_mode<synchronous>, transform_indices = @transform_7, window_bounds = array<i64: 8, 256, 128>}, {transform_indices = @transform_8, window_bounds = array<i64: 400, 128>}]} {
    %get3A = arith.constant 0 : index
    %get3A_0 = arith.constant 0 : index
    %get3A_1 = vector.load %arg1[%get3A, %get3A_0] : memref<400x128xf32, #tpu.memory_space<vmem>>, vector<400x128xf32>
    %get3A_2 = arith.constant 0 : index
    %get3A_3 = arith.constant 0 : index
    %get3A_4 = vector.load %arg2[%get3A_2, %get3A_3] : memref<400x128xf32, #tpu.memory_space<vmem>>, vector<400x128xf32>
    %get3A_5 = arith.constant 0 : index
    %get3A_6 = arith.constant 0 : index
    %get3A_7 = vector.load %arg3[%get3A_5, %get3A_6] : memref<128x2048xf32, #tpu.memory_space<vmem>>, vector<128x2048xf32>
    %dot_general3A = arith.constant dense<0.000000e+00> : vector<400x2048xf32>
    %dot_general3A_8 = tpu.matmul %get3A_1, %get3A_7, %dot_general3A {dimension_numbers = #tpu.dot_dimension_numbers<[1], [0], [0], [1], [0, 0, 1, 1], [], []>, transpose_lhs_hint = false} : vector<400x128xf32>, vector<128x2048xf32>, vector<400x2048xf32> -> vector<400x2048xf32>
    %slice3A = vector.extract_strided_slice %dot_general3A_8 {offsets = [0, 0], sizes = [400, 256], strides = [1, 1]} : vector<400x2048xf32> to vector<400x256xf32>
    %slice3A_9 = vector.extract_strided_slice %dot_general3A_8 {offsets = [0, 256], sizes = [400, 256], strides = [1, 1]} : vector<400x2048xf32> to vector<400x256xf32>
    %slice3A_10 = vector.extract_strided_slice %dot_general3A_8 {offsets = [0, 512], sizes = [400, 256], strides = [1, 1]} : vector<400x2048xf32> to vector<400x256xf32>
    %slice3A_11 = vector.extract_strided_slice %dot_general3A_8 {offsets = [0, 768], sizes = [400, 256], strides = [1, 1]} : vector<400x2048xf32> to vector<400x256xf32>
    %slice3A_12 = vector.extract_strided_slice %dot_general3A_8 {offsets = [0, 1024], sizes = [400, 256], strides = [1, 1]} : vector<400x2048xf32> to vector<400x256xf32>
    %slice3A_13 = vector.extract_strided_slice %dot_general3A_8 {offsets = [0, 1280], sizes = [400, 256], strides = [1, 1]} : vector<400x2048xf32> to vector<400x256xf32>
    %slice3A_14 = vector.extract_strided_slice %dot_general3A_8 {offsets = [0, 1536], sizes = [400, 256], strides = [1, 1]} : vector<400x2048xf32> to vector<400x256xf32>
    %slice3A_15 = vector.extract_strided_slice %dot_general3A_8 {offsets = [0, 1792], sizes = [400, 256], strides = [1, 1]} : vector<400x2048xf32> to vector<400x256xf32>
    %concatenate3A = tpu.concatenate %slice3A, %slice3A_9, %slice3A_10, %slice3A_11, %slice3A_12, %slice3A_13, %slice3A_14, %slice3A_15 in 0 : vector<400x256xf32>, vector<400x256xf32>, vector<400x256xf32>, vector<400x256xf32>, vector<400x256xf32>, vector<400x256xf32>, vector<400x256xf32>, vector<400x256xf32> -> vector<3200x256xf32>
    %get3A_16 = arith.constant 0 : index
    %get3A_17 = arith.constant 0 : index
    %get3A_18 = vector.load %arg4[%get3A_16, %get3A_17] : memref<1x256xf32, #tpu.memory_space<vmem>>, vector<1x256xf32>
    %add3A = vector.broadcast %get3A_18 : vector<1x256xf32> to vector<3200x256xf32>
    %add3A_19 = arith.addf %concatenate3A, %add3A : vector<3200x256xf32>
    %max3A = arith.constant 0.000000e+00 : f32
    %max3A_20 = vector.broadcast %max3A : f32 to vector<3200x256xf32>
    %max3A_21 = arith.maximumf %add3A_19, %max3A_20 : vector<3200x256xf32>
    %get3A_22 = arith.constant 0 : index
    %get3A_23 = arith.constant 0 : index
    %get3A_24 = vector.load %arg5[%get3A_22, %get3A_23] : memref<256x256xf32, #tpu.memory_space<vmem>>, vector<256x256xf32>
    %dot_general3A_25 = arith.constant dense<0.000000e+00> : vector<3200x256xf32>
    %dot_general3A_26 = tpu.matmul %max3A_21, %get3A_24, %dot_general3A_25 {dimension_numbers = #tpu.dot_dimension_numbers<[1], [0], [0], [1], [0, 0, 1, 1], [], []>, transpose_lhs_hint = false} : vector<3200x256xf32>, vector<256x256xf32>, vector<3200x256xf32> -> vector<3200x256xf32>
    %get3A_27 = arith.constant 0 : index
    %get3A_28 = arith.constant 0 : index
    %get3A_29 = vector.load %arg7[%get3A_27, %get3A_28] : memref<128x2048xf32, #tpu.memory_space<vmem>>, vector<128x2048xf32>
    %dot_general3A_30 = arith.constant dense<0.000000e+00> : vector<400x2048xf32>
    %dot_general3A_31 = tpu.matmul %get3A_4, %get3A_29, %dot_general3A_30 {dimension_numbers = #tpu.dot_dimension_numbers<[1], [0], [0], [1], [0, 0, 1, 1], [], []>, transpose_lhs_hint = false} : vector<400x128xf32>, vector<128x2048xf32>, vector<400x2048xf32> -> vector<400x2048xf32>
    %slice3A_32 = vector.extract_strided_slice %dot_general3A_31 {offsets = [0, 0], sizes = [400, 256], strides = [1, 1]} : vector<400x2048xf32> to vector<400x256xf32>
    %slice3A_33 = vector.extract_strided_slice %dot_general3A_31 {offsets = [0, 256], sizes = [400, 256], strides = [1, 1]} : vector<400x2048xf32> to vector<400x256xf32>
    %slice3A_34 = vector.extract_strided_slice %dot_general3A_31 {offsets = [0, 512], sizes = [400, 256], strides = [1, 1]} : vector<400x2048xf32> to vector<400x256xf32>
    %slice3A_35 = vector.extract_strided_slice %dot_general3A_31 {offsets = [0, 768], sizes = [400, 256], strides = [1, 1]} : vector<400x2048xf32> to vector<400x256xf32>
    %slice3A_36 = vector.extract_strided_slice %dot_general3A_31 {offsets = [0, 1024], sizes = [400, 256], strides = [1, 1]} : vector<400x2048xf32> to vector<400x256xf32>
    %slice3A_37 = vector.extract_strided_slice %dot_general3A_31 {offsets = [0, 1280], sizes = [400, 256], strides = [1, 1]} : vector<400x2048xf32> to vector<400x256xf32>
    %slice3A_38 = vector.extract_strided_slice %dot_general3A_31 {offsets = [0, 1536], sizes = [400, 256], strides = [1, 1]} : vector<400x2048xf32> to vector<400x256xf32>
    %slice3A_39 = vector.extract_strided_slice %dot_general3A_31 {offsets = [0, 1792], sizes = [400, 256], strides = [1, 1]} : vector<400x2048xf32> to vector<400x256xf32>
    %concatenate3A_40 = tpu.concatenate %slice3A_32, %slice3A_33, %slice3A_34, %slice3A_35, %slice3A_36, %slice3A_37, %slice3A_38, %slice3A_39 in 0 : vector<400x256xf32>, vector<400x256xf32>, vector<400x256xf32>, vector<400x256xf32>, vector<400x256xf32>, vector<400x256xf32>, vector<400x256xf32>, vector<400x256xf32> -> vector<3200x256xf32>
    %mul3A = arith.mulf %concatenate3A_40, %dot_general3A_26 : vector<3200x256xf32>
    %get3A_41 = arith.constant 0 : index
    %get3A_42 = arith.constant 0 : index
    %get3A_43 = vector.load %arg6[%get3A_41, %get3A_42] : memref<128x128xf32, #tpu.memory_space<vmem>>, vector<128x128xf32>
    %dot_general3A_44 = arith.constant dense<0.000000e+00> : vector<400x128xf32>
    %dot_general3A_45 = tpu.matmul %get3A_4, %get3A_43, %dot_general3A_44 {dimension_numbers = #tpu.dot_dimension_numbers<[1], [0], [0], [1], [0, 0, 1, 1], [], []>, transpose_lhs_hint = false} : vector<400x128xf32>, vector<128x128xf32>, vector<400x128xf32> -> vector<400x128xf32>
    %slice3A_46 = vector.extract_strided_slice %mul3A {offsets = [0, 0], sizes = [400, 256], strides = [1, 1]} : vector<3200x256xf32> to vector<400x256xf32>
    %get3A_47 = arith.constant 0 : index
    %get3A_48 = arith.constant 0 : index
    %get3A_49 = arith.constant 0 : index
    %get3A_50 = vector.load %arg8[%get3A_47, %get3A_48, %get3A_49] : memref<8x256x128xf32, #tpu.memory_space<vmem>>, vector<1x256x128xf32>
    %get3A_51 = vector.shape_cast %get3A_50 : vector<1x256x128xf32> to vector<256x128xf32>
    %dot_general3A_52 = arith.constant dense<0.000000e+00> : vector<400x128xf32>
    %dot_general3A_53 = tpu.matmul %slice3A_46, %get3A_51, %dot_general3A_52 {dimension_numbers = #tpu.dot_dimension_numbers<[1], [0], [0], [1], [0, 0, 1, 1], [], []>, transpose_lhs_hint = false} : vector<400x256xf32>, vector<256x128xf32>, vector<400x128xf32> -> vector<400x128xf32>
    %add3A_54 = arith.addf %dot_general3A_45, %dot_general3A_53 : vector<400x128xf32>
    %slice3A_55 = vector.extract_strided_slice %mul3A {offsets = [400, 0], sizes = [400, 256], strides = [1, 1]} : vector<3200x256xf32> to vector<400x256xf32>
    %get3A_56 = arith.constant 1 : index
    %get3A_57 = arith.constant 0 : index
    %get3A_58 = arith.constant 0 : index
    %get3A_59 = vector.load %arg8[%get3A_56, %get3A_57, %get3A_58] : memref<8x256x128xf32, #tpu.memory_space<vmem>>, vector<1x256x128xf32>
    %get3A_60 = vector.shape_cast %get3A_59 : vector<1x256x128xf32> to vector<256x128xf32>
    %dot_general3A_61 = arith.constant dense<0.000000e+00> : vector<400x128xf32>
    %dot_general3A_62 = tpu.matmul %slice3A_55, %get3A_60, %dot_general3A_61 {dimension_numbers = #tpu.dot_dimension_numbers<[1], [0], [0], [1], [0, 0, 1, 1], [], []>, transpose_lhs_hint = false} : vector<400x256xf32>, vector<256x128xf32>, vector<400x128xf32> -> vector<400x128xf32>
    %add3A_63 = arith.addf %add3A_54, %dot_general3A_62 : vector<400x128xf32>
    %slice3A_64 = vector.extract_strided_slice %mul3A {offsets = [800, 0], sizes = [400, 256], strides = [1, 1]} : vector<3200x256xf32> to vector<400x256xf32>
    %get3A_65 = arith.constant 2 : index
    %get3A_66 = arith.constant 0 : index
    %get3A_67 = arith.constant 0 : index
    %get3A_68 = vector.load %arg8[%get3A_65, %get3A_66, %get3A_67] : memref<8x256x128xf32, #tpu.memory_space<vmem>>, vector<1x256x128xf32>
    %get3A_69 = vector.shape_cast %get3A_68 : vector<1x256x128xf32> to vector<256x128xf32>
    %dot_general3A_70 = arith.constant dense<0.000000e+00> : vector<400x128xf32>
    %dot_general3A_71 = tpu.matmul %slice3A_64, %get3A_69, %dot_general3A_70 {dimension_numbers = #tpu.dot_dimension_numbers<[1], [0], [0], [1], [0, 0, 1, 1], [], []>, transpose_lhs_hint = false} : vector<400x256xf32>, vector<256x128xf32>, vector<400x128xf32> -> vector<400x128xf32>
    %add3A_72 = arith.addf %add3A_63, %dot_general3A_71 : vector<400x128xf32>
    %slice3A_73 = vector.extract_strided_slice %mul3A {offsets = [1200, 0], sizes = [400, 256], strides = [1, 1]} : vector<3200x256xf32> to vector<400x256xf32>
    %get3A_74 = arith.constant 3 : index
    %get3A_75 = arith.constant 0 : index
    %get3A_76 = arith.constant 0 : index
    %get3A_77 = vector.load %arg8[%get3A_74, %get3A_75, %get3A_76] : memref<8x256x128xf32, #tpu.memory_space<vmem>>, vector<1x256x128xf32>
    %get3A_78 = vector.shape_cast %get3A_77 : vector<1x256x128xf32> to vector<256x128xf32>
    %dot_general3A_79 = arith.constant dense<0.000000e+00> : vector<400x128xf32>
    %dot_general3A_80 = tpu.matmul %slice3A_73, %get3A_78, %dot_general3A_79 {dimension_numbers = #tpu.dot_dimension_numbers<[1], [0], [0], [1], [0, 0, 1, 1], [], []>, transpose_lhs_hint = false} : vector<400x256xf32>, vector<256x128xf32>, vector<400x128xf32> -> vector<400x128xf32>
    %add3A_81 = arith.addf %add3A_72, %dot_general3A_80 : vector<400x128xf32>
    %slice3A_82 = vector.extract_strided_slice %mul3A {offsets = [1600, 0], sizes = [400, 256], strides = [1, 1]} : vector<3200x256xf32> to vector<400x256xf32>
    %get3A_83 = arith.constant 4 : index
    %get3A_84 = arith.constant 0 : index
    %get3A_85 = arith.constant 0 : index
    %get3A_86 = vector.load %arg8[%get3A_83, %get3A_84, %get3A_85] : memref<8x256x128xf32, #tpu.memory_space<vmem>>, vector<1x256x128xf32>
    %get3A_87 = vector.shape_cast %get3A_86 : vector<1x256x128xf32> to vector<256x128xf32>
    %dot_general3A_88 = arith.constant dense<0.000000e+00> : vector<400x128xf32>
    %dot_general3A_89 = tpu.matmul %slice3A_82, %get3A_87, %dot_general3A_88 {dimension_numbers = #tpu.dot_dimension_numbers<[1], [0], [0], [1], [0, 0, 1, 1], [], []>, transpose_lhs_hint = false} : vector<400x256xf32>, vector<256x128xf32>, vector<400x128xf32> -> vector<400x128xf32>
    %add3A_90 = arith.addf %add3A_81, %dot_general3A_89 : vector<400x128xf32>
    %slice3A_91 = vector.extract_strided_slice %mul3A {offsets = [2000, 0], sizes = [400, 256], strides = [1, 1]} : vector<3200x256xf32> to vector<400x256xf32>
    %get3A_92 = arith.constant 5 : index
    %get3A_93 = arith.constant 0 : index
    %get3A_94 = arith.constant 0 : index
    %get3A_95 = vector.load %arg8[%get3A_92, %get3A_93, %get3A_94] : memref<8x256x128xf32, #tpu.memory_space<vmem>>, vector<1x256x128xf32>
    %get3A_96 = vector.shape_cast %get3A_95 : vector<1x256x128xf32> to vector<256x128xf32>
    %dot_general3A_97 = arith.constant dense<0.000000e+00> : vector<400x128xf32>
    %dot_general3A_98 = tpu.matmul %slice3A_91, %get3A_96, %dot_general3A_97 {dimension_numbers = #tpu.dot_dimension_numbers<[1], [0], [0], [1], [0, 0, 1, 1], [], []>, transpose_lhs_hint = false} : vector<400x256xf32>, vector<256x128xf32>, vector<400x128xf32> -> vector<400x128xf32>
    %add3A_99 = arith.addf %add3A_90, %dot_general3A_98 : vector<400x128xf32>
    %slice3A_100 = vector.extract_strided_slice %mul3A {offsets = [2400, 0], sizes = [400, 256], strides = [1, 1]} : vector<3200x256xf32> to vector<400x256xf32>
    %get3A_101 = arith.constant 6 : index
    %get3A_102 = arith.constant 0 : index
    %get3A_103 = arith.constant 0 : index
    %get3A_104 = vector.load %arg8[%get3A_101, %get3A_102, %get3A_103] : memref<8x256x128xf32, #tpu.memory_space<vmem>>, vector<1x256x128xf32>
    %get3A_105 = vector.shape_cast %get3A_104 : vector<1x256x128xf32> to vector<256x128xf32>
    %dot_general3A_106 = arith.constant dense<0.000000e+00> : vector<400x128xf32>
    %dot_general3A_107 = tpu.matmul %slice3A_100, %get3A_105, %dot_general3A_106 {dimension_numbers = #tpu.dot_dimension_numbers<[1], [0], [0], [1], [0, 0, 1, 1], [], []>, transpose_lhs_hint = false} : vector<400x256xf32>, vector<256x128xf32>, vector<400x128xf32> -> vector<400x128xf32>
    %add3A_108 = arith.addf %add3A_99, %dot_general3A_107 : vector<400x128xf32>
    %slice3A_109 = vector.extract_strided_slice %mul3A {offsets = [2800, 0], sizes = [400, 256], strides = [1, 1]} : vector<3200x256xf32> to vector<400x256xf32>
    %get3A_110 = arith.constant 7 : index
    %get3A_111 = arith.constant 0 : index
    %get3A_112 = arith.constant 0 : index
    %get3A_113 = vector.load %arg8[%get3A_110, %get3A_111, %get3A_112] : memref<8x256x128xf32, #tpu.memory_space<vmem>>, vector<1x256x128xf32>
    %get3A_114 = vector.shape_cast %get3A_113 : vector<1x256x128xf32> to vector<256x128xf32>
    %dot_general3A_115 = arith.constant dense<0.000000e+00> : vector<400x128xf32>
    %dot_general3A_116 = tpu.matmul %slice3A_109, %get3A_114, %dot_general3A_115 {dimension_numbers = #tpu.dot_dimension_numbers<[1], [0], [0], [1], [0, 0, 1, 1], [], []>, transpose_lhs_hint = false} : vector<400x256xf32>, vector<256x128xf32>, vector<400x128xf32> -> vector<400x128xf32>
    %add3A_117 = arith.addf %add3A_108, %dot_general3A_116 : vector<400x128xf32>
    %swap3A = arith.constant 0 : index
    %swap3A_118 = arith.constant 0 : index
    %swap3A_119 = vector.load %arg9[%swap3A, %swap3A_118] : memref<400x128xf32, #tpu.memory_space<vmem>>, vector<400x128xf32>
    tpu.vector_store %arg9[%swap3A, %swap3A_118], %add3A_117 {strides = array<i32>} : memref<400x128xf32, #tpu.memory_space<vmem>>, vector<400x128xf32>,
    return
  }
  func.func @transform_0(%arg0: i32) -> (i32, i32) {
    %c0_i32 = arith.constant 0 : i32
    %c0_i32_0 = arith.constant 0 : i32
    return %arg0, %c0_i32 : i32, i32
  }
  func.func @transform_1(%arg0: i32) -> (i32, i32) {
    %c0_i32 = arith.constant 0 : i32
    %c0_i32_0 = arith.constant 0 : i32
    return %arg0, %c0_i32 : i32, i32
  }
  func.func @transform_2(%arg0: i32) -> (i32, i32) {
    %c0_i32 = arith.constant 0 : i32
    %c0_i32_0 = arith.constant 0 : i32
    %c0_i32_1 = arith.constant 0 : i32
    return %c0_i32, %c0_i32_0 : i32, i32
  }
  func.func @transform_3(%arg0: i32) -> (i32, i32) {
    %c0_i32 = arith.constant 0 : i32
    %c0_i32_0 = arith.constant 0 : i32
    %c0_i32_1 = arith.constant 0 : i32
    return %c0_i32, %c0_i32_0 : i32, i32
  }
  func.func @transform_4(%arg0: i32) -> (i32, i32) {
    %c0_i32 = arith.constant 0 : i32
    %c0_i32_0 = arith.constant 0 : i32
    %c0_i32_1 = arith.constant 0 : i32
    return %c0_i32, %c0_i32_0 : i32, i32
  }
  func.func @transform_5(%arg0: i32) -> (i32, i32) {
    %c0_i32 = arith.constant 0 : i32
    %c0_i32_0 = arith.constant 0 : i32
    %c0_i32_1 = arith.constant 0 : i32
    return %c0_i32, %c0_i32_0 : i32, i32
  }
  func.func @transform_6(%arg0: i32) -> (i32, i32) {
    %c0_i32 = arith.constant 0 : i32
    %c0_i32_0 = arith.constant 0 : i32
    %c0_i32_1 = arith.constant 0 : i32
    return %c0_i32, %c0_i32_0 : i32, i32
  }
  func.func @transform_7(%arg0: i32) -> (i32, i32, i32) {
    %c0_i32 = arith.constant 0 : i32
    %c0_i32_0 = arith.constant 0 : i32
    %c0_i32_1 = arith.constant 0 : i32
    %c0_i32_2 = arith.constant 0 : i32
    return %c0_i32, %c0_i32_0, %c0_i32_1 : i32, i32, i32
  }
  func.func @transform_8(%arg0: i32) -> (i32, i32) {
    %c0_i32 = arith.constant 0 : i32
    %c0_i32_0 = arith.constant 0 : i32
    return %arg0, %c0_i32 : i32, i32
  }
}

module attributes {stable_mosaic.version = 14 : i64} {
  func.func @_final_body(%arg0: memref<2560x128xf32, #tpu.memory_space<vmem>>, %arg1: memref<1250x128xf32, #tpu.memory_space<vmem>>, %arg2: memref<128x128xf32, #tpu.memory_space<vmem>>, %arg3: memref<1x128xf32, #tpu.memory_space<vmem>>, %arg4: memref<1x128xf32, #tpu.memory_space<vmem>>, %arg5: memref<1x128xf32, #tpu.memory_space<vmem>>, %arg6: memref<128x128xf32, #tpu.memory_space<vmem>>, %arg7: memref<1250x128xf32, #tpu.memory_space<vmem>>) attributes {dimension_semantics = [], scalar_prefetch = 0 : i64, scratch_operands = 0 : i64, tpu.core_type = #tpu.core_type<tc>} {
    %get3A = arith.constant 0 : index
    %get3A_0 = arith.constant 0 : index
    %get3A_1 = vector.load %arg0[%get3A, %get3A_0] : memref<2560x128xf32, #tpu.memory_space<vmem>>, vector<2560x128xf32>
    %slice3A = vector.extract_strided_slice %get3A_1 {offsets = [0, 0], sizes = [1250, 128], strides = [1, 1]} : vector<2560x128xf32> to vector<1250x128xf32>
    %slice3A_2 = vector.extract_strided_slice %get3A_1 {offsets = [1280, 0], sizes = [1250, 128], strides = [1, 1]} : vector<2560x128xf32> to vector<1250x128xf32>
    %add3A = arith.addf %slice3A, %slice3A_2 : vector<1250x128xf32>
    %get3A_3 = arith.constant 0 : index
    %get3A_4 = arith.constant 0 : index
    %get3A_5 = vector.load %arg1[%get3A_3, %get3A_4] : memref<1250x128xf32, #tpu.memory_space<vmem>>, vector<1250x128xf32>
    %get3A_6 = arith.constant 0 : index
    %get3A_7 = arith.constant 0 : index
    %get3A_8 = vector.load %arg2[%get3A_6, %get3A_7] : memref<128x128xf32, #tpu.memory_space<vmem>>, vector<128x128xf32>
    %dot_general3A = arith.constant dense<0.000000e+00> : vector<1250x128xf32>
    %dot_general3A_9 = tpu.matmul %get3A_5, %get3A_8, %dot_general3A {dimension_numbers = #tpu.dot_dimension_numbers<[1], [0], [0], [1], [0, 0, 1, 1], [], []>, transpose_lhs_hint = false} : vector<1250x128xf32>, vector<128x128xf32>, vector<1250x128xf32> -> vector<1250x128xf32>
    %add3A_10 = arith.addf %add3A, %dot_general3A_9 : vector<1250x128xf32>
    %get3A_11 = arith.constant 0 : index
    %get3A_12 = arith.constant 0 : index
    %get3A_13 = vector.load %arg3[%get3A_11, %get3A_12] : memref<1x128xf32, #tpu.memory_space<vmem>>, vector<1x128xf32>
    %add3A_14 = vector.broadcast %get3A_13 : vector<1x128xf32> to vector<1250x128xf32>
    %add3A_15 = arith.addf %add3A_10, %add3A_14 : vector<1250x128xf32>
    %reduce_sum3A = arith.constant dense<0.000000e+00> : vector<128xf32>
    %reduce_sum3A_16 = vector.multi_reduction <add>, %add3A_15, %reduce_sum3A [0] : vector<1250x128xf32> to vector<128xf32>
    %broadcast_in_dim3A = vector.shape_cast %reduce_sum3A_16 : vector<128xf32> to vector<1x128xf32>
    %div3A = arith.constant 1.250000e+03 : f32
    %div3A_17 = vector.broadcast %div3A : f32 to vector<1x128xf32>
    %div3A_18 = arith.divf %broadcast_in_dim3A, %div3A_17 : vector<1x128xf32>
    %get3A_19 = arith.constant 0 : index
    %get3A_20 = arith.constant 0 : index
    %get3A_21 = vector.load %arg6[%get3A_19, %get3A_20] : memref<128x128xf32, #tpu.memory_space<vmem>>, vector<128x128xf32>
    %dot_general3A_22 = arith.constant dense<0.000000e+00> : vector<1x128xf32>
    %dot_general3A_23 = tpu.matmul %div3A_18, %get3A_21, %dot_general3A_22 {dimension_numbers = #tpu.dot_dimension_numbers<[1], [0], [0], [1], [0, 0, 1, 1], [], []>, transpose_lhs_hint = false} : vector<1x128xf32>, vector<128x128xf32>, vector<1x128xf32> -> vector<1x128xf32>
    %sub3A = vector.broadcast %dot_general3A_23 : vector<1x128xf32> to vector<1250x128xf32>
    %sub3A_24 = arith.subf %add3A_15, %sub3A : vector<1250x128xf32>
    %mul3A = arith.mulf %sub3A_24, %sub3A_24 : vector<1250x128xf32>
    %reduce_sum3A_25 = arith.constant dense<0.000000e+00> : vector<128xf32>
    %reduce_sum3A_26 = vector.multi_reduction <add>, %mul3A, %reduce_sum3A_25 [0] : vector<1250x128xf32> to vector<128xf32>
    %broadcast_in_dim3A_27 = vector.shape_cast %reduce_sum3A_26 : vector<128xf32> to vector<1x128xf32>
    %div3A_28 = arith.constant 1.250000e+03 : f32
    %div3A_29 = vector.broadcast %div3A_28 : f32 to vector<1x128xf32>
    %div3A_30 = arith.divf %broadcast_in_dim3A_27, %div3A_29 : vector<1x128xf32>
    %get3A_31 = arith.constant 0 : index
    %get3A_32 = arith.constant 0 : index
    %get3A_33 = vector.load %arg6[%get3A_31, %get3A_32] : memref<128x128xf32, #tpu.memory_space<vmem>>, vector<128x128xf32>
    %dot_general3A_34 = arith.constant dense<0.000000e+00> : vector<1x128xf32>
    %dot_general3A_35 = tpu.matmul %div3A_30, %get3A_33, %dot_general3A_34 {dimension_numbers = #tpu.dot_dimension_numbers<[1], [0], [0], [1], [0, 0, 1, 1], [], []>, transpose_lhs_hint = false} : vector<1x128xf32>, vector<128x128xf32>, vector<1x128xf32> -> vector<1x128xf32>
    %get3A_36 = arith.constant 0 : index
    %get3A_37 = arith.constant 0 : index
    %get3A_38 = vector.load %arg4[%get3A_36, %get3A_37] : memref<1x128xf32, #tpu.memory_space<vmem>>, vector<1x128xf32>
    %mul3A_39 = vector.broadcast %get3A_38 : vector<1x128xf32> to vector<1250x128xf32>
    %mul3A_40 = arith.mulf %mul3A_39, %sub3A_24 : vector<1250x128xf32>
    %add3A_41 = arith.constant 9.99999974E-6 : f32
    %add3A_42 = vector.broadcast %add3A_41 : f32 to vector<1x128xf32>
    %add3A_43 = arith.addf %dot_general3A_35, %add3A_42 : vector<1x128xf32>
    %rsqrt3A = math.rsqrt %add3A_43 : vector<1x128xf32>
    %mul3A_44 = vector.broadcast %rsqrt3A : vector<1x128xf32> to vector<1250x128xf32>
    %mul3A_45 = arith.mulf %mul3A_40, %mul3A_44 : vector<1250x128xf32>
    %get3A_46 = arith.constant 0 : index
    %get3A_47 = arith.constant 0 : index
    %get3A_48 = vector.load %arg5[%get3A_46, %get3A_47] : memref<1x128xf32, #tpu.memory_space<vmem>>, vector<1x128xf32>
    %add3A_49 = vector.broadcast %get3A_48 : vector<1x128xf32> to vector<1250x128xf32>
    %add3A_50 = arith.addf %mul3A_45, %add3A_49 : vector<1250x128xf32>
    %max3A = arith.constant 0.000000e+00 : f32
    %max3A_51 = vector.broadcast %max3A : f32 to vector<1250x128xf32>
    %max3A_52 = arith.maximumf %add3A_50, %max3A_51 : vector<1250x128xf32>
    %swap3A = arith.constant 0 : index
    %swap3A_53 = arith.constant 0 : index
    %swap3A_54 = vector.load %arg7[%swap3A, %swap3A_53] : memref<1250x128xf32, #tpu.memory_space<vmem>>, vector<1250x128xf32>
    tpu.vector_store %arg7[%swap3A, %swap3A_53], %max3A_52 {strides = array<i32>} : memref<1250x128xf32, #tpu.memory_space<vmem>>, vector<1250x128xf32>,
    return
  }
}

</mosaic_0001>

<sc_bundles>
// kernel: kernel.6.cloned.1.call-start
scs
__scs_entry_jumppad:
0x0: {  	(pc) =	sbr.rel $0x88, $3  }
0x1: {  	(tag) =	ssettag $0x0;
	lr =	simm.s32 $0x1  }
0x2: {  	[smem:$0x3F96] =	sst lr;
	_ =	strace $0xD0000000  }
0x3: {  	_ = 	snop  }
0x4: {  	_ = 	snop  }
0x5: {  	_ = 	snop  }
0x6: {  	_ = 	snop  }
0x7: {  	_ = 	snop  }
__scs_overlays_trampoline_lowered:
0x8: {  	[smem:$0x3FA5] =	sst s0  }
0x9: {  	[smem:$0x3FA6] =	sst s1  }
0xa: {  	[smem:$0x3FA7] =	sst s2  }
0xb: {  	[smem:$0x3FA8] =	sst s3  }
0xc: {  	[smem:$0x3FA9] =	sst s4  }
0xd: {  	[smem:$0x3FAA] =	sst s5  }
0xe: {  	[smem:$0x3FAB] =	sst s6  }
0xf: {  	[smem:$0x3FAC] =	sst s7  }
0x10: {  	[smem:$0x3FAD] =	sst s8  }
0x11: {  	[smem:$0x3FAE] =	sst s9;
	s0 =	simm.s32 @!p0 $0x0  }
0x12: {  	s1 =	sld [smem:$0x3F94];
	s0 =	simm.s32 @p0 $0x1  }
0x13: {  	[smem:$0x3FAF] =	sst s0;
	s0 =	simm.s32 @!p1 $0x0  }
0x14: {  	s2 =	sld [smem:$0x3F93];
	s0 =	simm.s32 @p1 $0x1  }
0x15: {  	[smem:$0x3FB0] =	sst s0;
	s0 =	simm.s32 @!p2 $0x0  }
0x16: {  	s3 =	sld [smem:$0x3FDB];
	s0 =	simm.s32 @p2 $0x1  }
0x17: {  	s4 =	simm.s32 $0x1BF5;
	[smem:$0x3FB2] =	sst s0  }
0x18: {  	s0 =	sld [smem:$0x3F95];
	_ =	swait.ge [sflag:s4], $0x0  }
0x19: {  	s7 =	sld [smem:$0x3F96]  }
0x1a: {  	s8 =	sadd.s32 $0xFFFFE003, lr  }
0x1b: {  	s9 =	sadd.s32 $0xFFFFFEF7, lr;
	s5 =	simm.s32 $0xFFFFFFFF;
	p2 =	slt.u32 s8, $0xFFFFF086  }
0x1c: {  	p1 =	slt.u32 s9, $0xF7A;
	s5 =	simm.s32 @!p2 $0x0  }
0x1d: {  	s5 =	simm.s32 @p1 $0x1;
	p0 =	seq.s32 s7, s2  }
0x1e: {  	s7 =	smul.u32 @!p0 $0xF7A, s2;
	p2 =	seq.s32 @!p0 s5, $0x0  }
0x1f: {  	s9 =	smul.u32 $0xF7A, s1;
	s8 =	simm.s32 @!p0 $0x1BF5;
	p2 =	por !p2, p0  }
0x20: {  	[sflag:s8] =	ssyncset.s32 @!p0 $0xFFFFF086;
	s6 =	sadd.s32 @!p0 s3, s7;
	s7 =	simm.s32 @!p0 $0x108  }
0x21: {  	s3 =	sadd.s32 s3, s9;
	s6 =	sadd.s32 @!p0 $0x88, s6;
	s7 =	simm.s32 @p2 $0x1082  }
0x22: {  	[simem:s7], [sflag:s8] =	dma.local @!p0 [hbm:s6], $0xF7A  }
0x23: {  	s9 =	sor.u32 $0xD0000000, s2;
	s6 =	simm.s32 $0x108;
	_ =	swait.ge @!p0 [sflag:s8], $0x0  }
0x24: {  	s3 =	sadd.s32 $0x88, s3;
	s6 =	simm.s32 @!p1 $0x1082;
	[sflag:s4] =	ssyncset.s32 $0xFFFFF086  }
0x25: {  	[simem:s6], [sflag:s4] =	dma.local [hbm:s3], $0xF7A  }
0x26: {  	[smem:$0x3F96] =	sst s1;
	(tag) =	ssettag s2;
	_ =	strace s9  }
0x27: {  	s1 =	sld [smem:$0x3FA6]  }
0x28: {  	s2 =	sld [smem:$0x3FA7]  }
0x29: {  	s4 =	sld [smem:$0x3FA9]  }
0x2a: {  	p0 =	seq.s32 s5, $0x0;
	s5 =	sld [smem:$0x3FAA]  }
0x2b: {  	s6 =	sld [smem:$0x3FAB]  }
0x2c: {  	s7 =	sld [smem:$0x3FAC]  }
0x2d: {  	s3 =	simm.s32 $0x108;
	s8 =	sld [smem:$0x3FAD]  }
0x2e: {  	s3 =	simm.s32 @!p0 $0x1082;
	s9 =	sld [smem:$0x3FAE]  }
0x2f: {  	lr =	sadd.s32 s0, s3;
	s0 =	sld [smem:$0x3FA5]  }
0x30: {  	s3 =	sld [smem:$0x3FA8]  }
0x31: {  	[smem:$0x3FB1] =	sst s10  }
0x32: {  	s10 =	sld [smem:$0x3FAF];
	_ =	sdelay $0x3  }
0x33: {  	p0 =	seq.s32 s10, $0x1;
	s10 =	sld [smem:$0x3FB1];
	_ =	sdelay $0x3  }
0x34: {  	[smem:$0x3FB1] =	sst s10  }
0x35: {  	s10 =	sld [smem:$0x3FB0];
	_ =	sdelay $0x3  }
0x36: {  	p1 =	seq.s32 s10, $0x1;
	s10 =	sld [smem:$0x3FB1];
	_ =	sdelay $0x3  }
0x37: {  	[smem:$0x3FB1] =	sst s10  }
0x38: {  	s10 =	sld [smem:$0x3FB2]  }
0x39: {  	_ = 	snop;
	(pc) =	sbr.ind lr, $3  }
0x3a: {  	_ = 	snop  }
0x3b: {  	_ = 	snop  }
0x3c: {  	p2 =	seq.s32 s10, $0x1;
	s10 =	sld [smem:$0x3FB1]  }
0x3d: {  	_ =	shalt  }
0x3e: {  	_ =	shalt  }
0x3f: {  	_ =	shalt  }
0x40: {  	_ =	shalt  }
0x41: {  	_ =	shalt  }
0x42: {  	_ =	shalt  }
0x43: {  	_ =	shalt  }
0x44: {  	_ =	shalt  }
0x45: {  	_ =	shalt  }
0x46: {  	_ =	shalt  }
0x47: {  	_ =	shalt  }
0x48: {  	_ =	shalt  }
0x49: {  	_ =	shalt  }
0x4a: {  	_ =	shalt  }
0x4b: {  	_ =	shalt  }
0x4c: {  	_ =	shalt  }
0x4d: {  	_ =	shalt  }
0x4e: {  	_ =	shalt  }
0x4f: {  	_ =	shalt  }
0x50: {  	_ =	shalt  }
0x51: {  	_ =	shalt  }
0x52: {  	_ =	shalt  }
0x53: {  	_ =	shalt  }
0x54: {  	_ =	shalt  }
0x55: {  	_ =	shalt  }
0x56: {  	_ =	shalt  }
0x57: {  	_ =	shalt  }
0x58: {  	_ =	shalt  }
0x59: {  	_ =	shalt  }
0x5a: {  	_ =	shalt  }
0x5b: {  	_ =	shalt  }
0x5c: {  	_ =	shalt  }
0x5d: {  	_ =	shalt  }
0x5e: {  	_ =	shalt  }
0x5f: {  	_ =	shalt  }
0x60: {  	_ =	shalt  }
0x61: {  	_ =	shalt  }
0x62: {  	_ =	shalt  }
0x63: {  	_ =	shalt  }
0x64: {  	_ =	shalt  }
0x65: {  	_ =	shalt  }
0x66: {  	_ =	shalt  }
0x67: {  	_ =	shalt  }
0x68: {  	_ =	shalt  }
0x69: {  	_ =	shalt  }
0x6a: {  	_ =	shalt  }
0x6b: {  	_ =	shalt  }
0x6c: {  	_ =	shalt  }
0x6d: {  	_ =	shalt  }
0x6e: {  	_ =	shalt  }
0x6f: {  	_ =	shalt  }
0x70: {  	_ =	shalt  }
0x71: {  	_ =	shalt  }
0x72: {  	_ =	shalt  }
0x73: {  	_ =	shalt  }
0x74: {  	_ =	shalt  }
0x75: {  	_ =	shalt  }
0x76: {  	_ =	shalt  }
0x77: {  	_ =	shalt  }
0x78: {  	_ =	shalt  }
0x79: {  	_ =	shalt  }
0x7a: {  	_ =	shalt  }
0x7b: {  	_ =	shalt  }
0x7c: {  	_ =	shalt  }
0x7d: {  	_ =	shalt  }
0x7e: {  	_ =	shalt  }
0x7f: {  	_ =	shalt  }
0x80: {  	_ =	shalt  }
0x81: {  	_ =	shalt  }
0x82: {  	_ =	shalt  }
0x83: {  	_ =	shalt  }
0x84: {  	_ =	shalt  }
0x85: {  	_ =	shalt  }
0x86: {  	_ =	shalt  }
0x87: {  	_ =	shalt  }
.Lfunc_end0:
.L_simem_size_0:
called_computation_lowered:
.L_overlay_start_0:
0x88: {  	s2 =	sld [smem:$0x3FD9]  }
0x89: {  	s3 =	sld [smem:$0x3FFE];
	_ =	sdelay $0x1  }
0x8a: {  	s1 =	srdreg.scid  }
0x8b: {  	s0 =	sand.u32 $0x1, s1  }
0x8c: {  	s17 =	sshll.u32 s0, $0xA;
	s2 =	sadd.s32 s3, s2  }
0x8d: {  	s2 =	sadd.s32 s2, s17  }
0x8e: {  	[smem:$0x3FBD] =	sst s2  }
0x8f: {  	_ = 	snop  }
0x90: {  	s2 =	sld [smem:$0x3FD0];
	(tm) =	ssettm $0x1  }
0x91: {  	s18 =	sld [smem:$0x3FFB];
	_ =	sdelay $0x3  }
0x92: {  	_ =	strace s18  }
0x93: {  	s3 =	sld [smem:$0x3FFC];
	_ =	sdelay $0x3  }
0x94: {  	_ =	strace s3  }
0x95: {  	s3 =	sld [smem:$0x3FFD];
	_ =	sdelay $0x3  }
0x96: {  	_ =	strace s3  }
0x97: {  	_ =	strace $0x8FFFFFFF  }
0x98: {  	s19 =	sld [smem:$0x3FDB];
	_ =	sdelay $0x1  }
0x99: {  	s4 =	simm.s32 $_scs_section_size  }
0x9a: {  	s5 =	simm.s32 $_size__tile_overlayer_lowered;
	s6 =	simm.s32 $_tile_overlayer_lowered  }
0x9b: {  	s22 =	simm.s32 $0x1BFF;
	s21 =	sshll.u32 s6, $0x1;
	s3 =	sadd.s32 s4, s19  }
0x9c: {  	s7 =	simm.s32 $0x0;
	s20 =	sshll.u32 s5, $0x1;
	s5 =	sadd.s32 s21, s3  }
0x9d: {  	[timem:s7], [sflag:s22] =	dma.local [hbm:s5], s20  }
0x9e: {  	_ =	swait.ge [sflag:s22], s20  }
0x9f: {  	s4 =	ssub.s32 $0x0, s20;
	[sflag:s22] =	ssyncset.done $0x0  }
0xa0: {  	[sflag:s22] =	ssyncadd.s32 s4;
	_ =	sdelay $0x1  }
0xa1: {  	s23 =	simm.s32 $0x1B8B  }
0xa2: {  	_ =	swait.ge [sflag:s23], $0x1  }
0xa3: {  	[sflag:s23] =	ssyncset.done $0x0  }
0xa4: {  	s25 =	simm.s32 $0x1B8E;
	s24 =	sld [smem:$0x3FFE];
	[sflag:s23] =	ssyncadd.s32 $0xFFFFFFFF  }
0xa5: {  	s26 =	simm.s32 $execute0_lowered;
	[smem:$0x3FD2] =	sst s25  }
0xa6: {  	s5 =	sshll.u32 s26, $0x1;
	_ =	strace $0x80000046;
	[dreg:$0x1] =	wrdreg $0xFFFFFFFF  }
0xa7: {  	s28 =	simm.s32 $_size_execute0_lowered;
	s3 =	sadd.s32 s3, s5;
	[dreg:$0x0] =	wrdreg $0x0  }
0xa8: {  	s5 =	sshll.u32 s28, $0x1;
	[dreg:$0x2] =	wrdreg s3  }
0xa9: {  	[dreg:$0x3] =	wrdreg s5  }
0xaa: {  	[dreg:$0x4] =	wrdreg $0xC0  }
0xab: {  	_ =	task [dreg:s7], $0x5FFFF  }
0xac: {  	[dreg:$0x1] =	wrdreg $0xFFFFFFFF  }
0xad: {  	[dreg:$0x0] =	wrdreg $0x60  }
0xae: {  	[dreg:$0x2] =	wrdreg s2  }
0xaf: {  	[dreg:$0x3] =	wrdreg s24  }
0xb0: {  	[dreg:$0x4] =	wrdreg $0x9  }
0xb1: {  	_ =	task.clear_ibuf [dreg:s7], $0x5FFFF;
	_ =	strace $0x90000046  }
0xb2: {  	s29 =	simm.s32 $0x9;
	_ =	strace $0x80000048  }
0xb3: {  	_ =	swait.ge [sflag:s29], $0x1  }
0xb4: {  	[sflag:s29] =	ssyncadd.s32 $0xFFFFFFFF  }
0xb5: {  	_ =	strace $0x90000048  }
0xb6: {  	_ =	sfence  }
0xb7: {  	s30 =	sld [smem:$0x0];
	_ =	sdelay $0x2  }
0xb8: {  	s31 =	sshll.u32 s1, $0xD;
	s1 =	sshrl.u32 s1, $0x2  }
0xb9: {  	s3 =	sand.u32 $0x4000, s31;
	s1 =	sadd.s32 s1, s30  }
0xba: {  	s0 =	sor.u32 s3, s0;
	s1 =	sshll.u32 s1, $0x11  }
0xbb: {  	s0 =	sor.u32 s1, s0  }
0xbc: {  	s0 =	sadd.s32 $0x8F2B, s0  }
0xbd: {  	[sflag:s0] =	ssyncadd.remote.s32 $0x1  }
0xbe: {  	_ =	sfence.sel $0xFFFF  }
0xbf: {  	[dreg:$0x0] =	wrdreg $0xFFFFFFFF;
	(pc) =	sbr.abs _section_cstart, $3  }
0xc0: {  	[dreg:$0x1] =	wrdreg $0xFFFFFFFF  }
0xc1: {  	_ =	task.clear_ibuf [dreg:s7], $0x2FFFF;
	_ =	strace $0x9FFFFFFF  }
0xc2: {  	(tm) =	ssettm $0x7FFFFFFF  }
0xc3: {  	_ =	shalt  }
tec
execute0_lowered:
.L_overlay_start_1:
0x0: {  	(tag) =	ssettag $0x1  }
0x1: {  	s1 =	srdreg.scid;
	s0 =	stileid.u32  }
0x2: {  	s20 =	sand.u32 $0x1, s1;
	s30 =	sshll.u32 s0, $0x1  }
0x3: {  	s12 =	sor.u32 s20, s30  }
0x4: {  	s2 =	rddreg [dreg:$0x0];
	s4 =	smul.u32 $0x4E2, s12  }
0x5: {  	s9 =	rddreg [dreg:$0x1];
	s3 =	simm.s32 $0x0  }
0x6: {  	s5 =	simm.s32 $0x5;
	[smem:$0x7FF] =	sst s3;
	s4 =	sadd.s32 s4, s9  }
0x7: {  	s1 =	rddreg [dreg:$0x2];
	_ =	strace $0x80000047;
	s4 =	sadd.s32 $0x2AE00, s4  }
0x8: {  	[tilespmem:s3], [sflag:$0x5] =	stream.linear.gather [hbm4b:s4+s3], $0x2710, $0x38;
	[tilespmem:$0x12110] =	vst v63  }
0x9: {  	_ =	swait.ge [sflag:s5], $0x2710  }
0xa: {  	s6 =	simm.s32 $0x7D0;
	[sflag:s5] =	ssyncset.done $0x0  }
0xb: {  	s7 =	simm.s32 $0x2710;
	s8 =	simm.s32 $0x1;
	[sflag:s5] =	ssyncadd.s32 $0xFFFFD8F0  }
0xc: {  	[tilespmem:s7], [sflag:$0x1] =	stream.indirect.gather [hbm4b:s2+s6], $0x10, s3, s6, $0xb8;
	[tilespmem:$0x12110] =	vst v63  }
0xd: {  	_ =	swait.ge [sflag:s8], $0x7D00  }
0xe: {  	s13 =	sadd.s32 $0x3EA00, s9;
	[sflag:s8] =	ssyncset.done $0x0  }
0xf: {  	s10 =	smul.u32 $0x4E20, s12;
	s9 =	simm.s32 $0xA410;
	[sflag:s8] =	ssyncadd.s32 $0xFFFF8300  }
0x10: {  	[tilespmem:s9], [sflag:$0x2] =	stream.indirect.gather [hbm4b:s2+s6], $0x10, s6, s6, $0xb8;
	[tilespmem:$0x12110] =	vst v63  }
0x11: {  	s11 =	simm.s32 $0x2;
	s10 =	sadd.s32 s13, s10  }
0x12: {  	[hbm4b:s10+s3] =	stream.linear.scatter [tilespmem:s7], [sflag:$0x3], $0x7D00, $0x38;
	[tilespmem:$0x12110] =	vst v63  }
0x13: {  	_ =	swait.ge [sflag:s11], $0x7D00  }
0x14: {  	[sflag:s11] =	ssyncset.done $0x0  }
0x15: {  	s14 =	smul.u32 $0x27100, s12;
	s12 =	simm.s32 $0x3;
	[sflag:s11] =	ssyncadd.s32 $0xFFFF8300  }
0x16: {  	_ =	swait.ge [sflag:s12], $0x7D00  }
0x17: {  	s14 =	sshrl.u32 s14, $0x3;
	[sflag:s12] =	ssyncset.done $0x0  }
0x18: {  	s21 =	sadd.s32 s13, s14;
	s13 =	simm.s32 $0xFA0;
	[sflag:s12] =	ssyncadd.s32 $0xFFFF8300  }
0x19: {  	[tilespmem:s7], [sflag:$0x1] =	stream.indirect.gather [hbm4b:s2+s6], $0x10, s13, s6, $0xb8;
	[tilespmem:$0x12110] =	vst v63  }
0x1a: {  	s14 =	sadd.s32 $0xFA0, s21  }
0x1b: {  	[hbm4b:s14+s3] =	stream.linear.scatter [tilespmem:s9], [sflag:$0x4], $0x7D00, $0x38;
	[tilespmem:$0x12110] =	vst v63  }
0x1c: {  	_ =	swait.ge [sflag:s8], $0x7D00  }
0x1d: {  	[sflag:s8] =	ssyncset.done $0x0  }
0x1e: {  	s15 =	simm.s32 $0x4;
	[sflag:s8] =	ssyncadd.s32 $0xFFFF8300  }
0x1f: {  	_ =	swait.ge [sflag:s15], $0x7D00  }
0x20: {  	[sflag:s15] =	ssyncset.done $0x0  }
0x21: {  	s16 =	simm.s32 $0x1770;
	[sflag:s15] =	ssyncadd.s32 $0xFFFF8300  }
0x22: {  	[tilespmem:s9], [sflag:$0x2] =	stream.indirect.gather [hbm4b:s2+s6], $0x10, s16, s6, $0xb8;
	[tilespmem:$0x12110] =	vst v63  }
0x23: {  	s17 =	sadd.s32 $0x1F40, s21  }
0x24: {  	[hbm4b:s17+s3] =	stream.linear.scatter [tilespmem:s7], [sflag:$0x3], $0x7D00, $0x38;
	[tilespmem:$0x12110] =	vst v63  }
0x25: {  	_ =	swait.ge [sflag:s11], $0x7D00  }
0x26: {  	[sflag:s11] =	ssyncset.done $0x0  }
0x27: {  	[sflag:s11] =	ssyncadd.s32 $0xFFFF8300  }
0x28: {  	_ =	swait.ge [sflag:s12], $0x7D00  }
0x29: {  	[sflag:s12] =	ssyncset.done $0x0  }
0x2a: {  	s18 =	simm.s32 $0x1F40;
	s22 =	ssub.s32 $0x2, s20;
	[sflag:s12] =	ssyncadd.s32 $0xFFFF8300  }
0x2b: {  	[tilespmem:s7], [sflag:$0x1] =	stream.indirect.gather [hbm4b:s2+s6], $0x10, s18, s6, $0xb8;
	[tilespmem:$0x12110] =	vst v63  }
0x2c: {  	s31 =	sshrl.u32 s22, $0x1;
	s19 =	sadd.s32 $0x2EE0, s21  }
0x2d: {  	[hbm4b:s19+s3] =	stream.linear.scatter [tilespmem:s9], [sflag:$0x4], $0x7D00, $0x38;
	[tilespmem:$0x12110] =	vst v63  }
0x2e: {  	s20 =	sadd.s32 $0x3E80, s21;
	s21 =	ssub.s32 s22, s31;
	_ =	swait.ge [sflag:s8], $0x7D00  }
0x2f: {  	s21 =	smax.u32 s21, $0x1;
	[sflag:s8] =	ssyncset.done $0x0  }
0x30: {  	p0 =	sne.s32 s21, $0x1;
	[sflag:s8] =	ssyncadd.s32 $0xFFFF8300  }
0x31: {  	[hbm4b:s20+s3] =	stream.linear.scatter [tilespmem:s7], [sflag:$0x3], $0x7D00, $0x38;
	[tilespmem:$0x12110] =	vst v63  }
.Ltmp0:
0x32: {  	_ =	swait.ge [sflag:s12], $0x7D00;
	(pc) =	sbr.rel @!p0 .LBB2_2-.Ltmp0, $4  }
0x33: {  	[sflag:s12] =	ssyncset.done $0x0  }
0x34: {  	[sflag:s12] =	ssyncadd.s32 $0xFFFF8300  }
0x35: {  	_ =	swait.ge [sflag:s15], $0x7D00  }
0x36: {  	s21 =	sadd.s32 $0xFFFFFFFF, s21;
	[sflag:s15] =	ssyncset.done $0x0  }
.LBB2_1:
0x37: {  	p0 =	sne.s32 s21, $0x1;
	s21 =	sadd.s32 $0xFFFFFFFF, s21;
	[sflag:s15] =	ssyncadd.s32 $0xFFFF8300  }
0x38: {  	[tilespmem:s3], [sflag:$0x5] =	stream.linear.gather [hbm4b:s4+s3], $0x2710, $0x38;
	[tilespmem:$0x12110] =	vst v63  }
0x39: {  	_ =	swait.ge [sflag:s5], $0x2710  }
0x3a: {  	[sflag:s5] =	ssyncset.done $0x0  }
0x3b: {  	[sflag:s5] =	ssyncadd.s32 $0xFFFFD8F0  }
0x3c: {  	[tilespmem:s7], [sflag:$0x1] =	stream.indirect.gather [hbm4b:s2+s6], $0x10, s3, s6, $0xb8;
	[tilespmem:$0x12110] =	vst v63  }
0x3d: {  	_ =	swait.ge [sflag:s8], $0x7D00  }
0x3e: {  	[sflag:s8] =	ssyncset.done $0x0  }
0x3f: {  	[sflag:s8] =	ssyncadd.s32 $0xFFFF8300  }
0x40: {  	[tilespmem:s9], [sflag:$0x2] =	stream.indirect.gather [hbm4b:s2+s6], $0x10, s6, s6, $0xb8;
	[tilespmem:$0x12110] =	vst v63  }
0x41: {  	_ = 	snop  }
0x42: {  	[hbm4b:s10+s3] =	stream.linear.scatter [tilespmem:s7], [sflag:$0x3], $0x7D00, $0x38;
	[tilespmem:$0x12110] =	vst v63  }
0x43: {  	_ =	swait.ge [sflag:s11], $0x7D00  }
0x44: {  	[sflag:s11] =	ssyncset.done $0x0  }
0x45: {  	[sflag:s11] =	ssyncadd.s32 $0xFFFF8300  }
0x46: {  	_ =	swait.ge [sflag:s12], $0x7D00  }
0x47: {  	[sflag:s12] =	ssyncset.done $0x0  }
0x48: {  	[sflag:s12] =	ssyncadd.s32 $0xFFFF8300  }
0x49: {  	[tilespmem:s7], [sflag:$0x1] =	stream.indirect.gather [hbm4b:s2+s6], $0x10, s13, s6, $0xb8;
	[tilespmem:$0x12110] =	vst v63  }
0x4a: {  	_ = 	snop  }
0x4b: {  	[hbm4b:s14+s3] =	stream.linear.scatter [tilespmem:s9], [sflag:$0x4], $0x7D00, $0x38;
	[tilespmem:$0x12110] =	vst v63  }
0x4c: {  	_ =	swait.ge [sflag:s8], $0x7D00  }
0x4d: {  	[sflag:s8] =	ssyncset.done $0x0  }
0x4e: {  	[sflag:s8] =	ssyncadd.s32 $0xFFFF8300  }
0x4f: {  	_ =	swait.ge [sflag:s15], $0x7D00  }
0x50: {  	[sflag:s15] =	ssyncset.done $0x0  }
0x51: {  	[sflag:s15] =	ssyncadd.s32 $0xFFFF8300  }
0x52: {  	[tilespmem:s9], [sflag:$0x2] =	stream.indirect.gather [hbm4b:s2+s6], $0x10, s16, s6, $0xb8;
	[tilespmem:$0x12110] =	vst v63  }
0x53: {  	_ = 	snop  }
0x54: {  	[hbm4b:s17+s3] =	stream.linear.scatter [tilespmem:s7], [sflag:$0x3], $0x7D00, $0x38;
	[tilespmem:$0x12110] =	vst v63  }
0x55: {  	_ =	swait.ge [sflag:s11], $0x7D00  }
0x56: {  	[sflag:s11] =	ssyncset.done $0x0  }
0x57: {  	[sflag:s11] =	ssyncadd.s32 $0xFFFF8300  }
0x58: {  	_ =	swait.ge [sflag:s12], $0x7D00  }
0x59: {  	[sflag:s12] =	ssyncset.done $0x0  }
0x5a: {  	[sflag:s12] =	ssyncadd.s32 $0xFFFF8300  }
0x5b: {  	[tilespmem:s7], [sflag:$0x1] =	stream.indirect.gather [hbm4b:s2+s6], $0x10, s18, s6, $0xb8;
	[tilespmem:$0x12110] =	vst v63  }
0x5c: {  	_ = 	snop  }
0x5d: {  	[hbm4b:s19+s3] =	stream.linear.scatter [tilespmem:s9], [sflag:$0x4], $0x7D00, $0x38;
	[tilespmem:$0x12110] =	vst v63  }
0x5e: {  	_ =	swait.ge [sflag:s8], $0x7D00  }
0x5f: {  	[sflag:s8] =	ssyncset.done $0x0  }
0x60: {  	[sflag:s8] =	ssyncadd.s32 $0xFFFF8300  }
0x61: {  	[hbm4b:s20+s3] =	stream.linear.scatter [tilespmem:s7], [sflag:$0x3], $0x7D00, $0x38;
	[tilespmem:$0x12110] =	vst v63  }
.Ltmp1:
0x62: {  	_ =	swait.ge [sflag:s12], $0x7D00;
	(pc) =	sbr.rel @p0 .LBB2_1-.Ltmp1, $4  }
0x63: {  	[sflag:s12] =	ssyncset.done $0x0  }
0x64: {  	[sflag:s12] =	ssyncadd.s32 $0xFFFF8300  }
0x65: {  	_ =	swait.ge [sflag:s15], $0x7D00  }
0x66: {  	[sflag:s15] =	ssyncset.done $0x0  }
.LBB2_2:
0x67: {  	[sflag:s15] =	ssyncadd.s32 $0xFFFF8300  }
0x68: {  	_ =	sfence.sel $0x180000  }
0x69: {  	[bflag:$0x0] =	sbarrier.arrive $0xFFFF  }
0x6a: {  	p0 =	sne.s32 s0, $0x0;
	_ =	strace $0x90000047  }
0x6b: {  	s0 =	sadd.s32 @!p0 $0x100000, s1;
	[bflag:$0x2] =	sbarrier.arrive $0xFFFF  }
0x6c: {  	[sflag:s0] =	ssyncadd.tile.s32 @!p0 $0x1;
	_ =	shalt  }
.Lfunc_end2:
_tile_overlayer_lowered:
.L_overlay_start_2:
0x6d: {  	(tag) =	ssettag $0x2  }
0x6e: {  	s0 =	rddreg [dreg:$0x0];
	s2 =	stileid.u32  }
0x6f: {  	s1 =	rddreg [dreg:$0x1];
	p0 =	sne.s32 s2, $0x0  }
0x70: {  	s3 =	rddreg [dreg:$0x2];
	[bflag:$0x3] =	sbarrier.arrive $0xFFFF;
	s2 =	simm.s32 @!p0 $0x1C05  }
0x71: {  	[timem:s3], [sflag:s2] =	dma.local @!p0 [hbm:s0], s1  }
0x72: {  	s0 =	simm.s32 @!p0 $0x5  }
0x73: {  	_ =	swait.ge @!p0 [sflag:s0], s1  }
0x74: {  	s1 =	ssub.s32 @!p0 $0x0, s1;
	[sflag:s0] =	ssyncset.done @!p0 $0x0  }
0x75: {  	[sflag:s0] =	ssyncadd.s32 @!p0 s1  }
0x76: {  	[bflag:$0x3] =	sbarrier.arrive $0xFFFF  }
0x77: {  	_ =	shalt  }

// kernel: kernel.9.cloned.1.call-start
scs
__scs_entry_jumppad:
0x0: {  	(pc) =	sbr.rel $0x88, $3  }
0x1: {  	(tag) =	ssettag $0x0;
	lr =	simm.s32 $0x1  }
0x2: {  	[smem:$0x3F96] =	sst lr;
	_ =	strace $0xD0000000  }
0x3: {  	_ = 	snop  }
0x4: {  	_ = 	snop  }
0x5: {  	_ = 	snop  }
0x6: {  	_ = 	snop  }
0x7: {  	_ = 	snop  }
__scs_overlays_trampoline_lowered:
0x8: {  	[smem:$0x3FA5] =	sst s0  }
0x9: {  	[smem:$0x3FA6] =	sst s1  }
0xa: {  	[smem:$0x3FA7] =	sst s2  }
0xb: {  	[smem:$0x3FA8] =	sst s3  }
0xc: {  	[smem:$0x3FA9] =	sst s4  }
0xd: {  	[smem:$0x3FAA] =	sst s5  }
0xe: {  	[smem:$0x3FAB] =	sst s6  }
0xf: {  	[smem:$0x3FAC] =	sst s7  }
0x10: {  	[smem:$0x3FAD] =	sst s8  }
0x11: {  	[smem:$0x3FAE] =	sst s9;
	s0 =	simm.s32 @!p0 $0x0  }
0x12: {  	s1 =	sld [smem:$0x3F94];
	s0 =	simm.s32 @p0 $0x1  }
0x13: {  	[smem:$0x3FAF] =	sst s0;
	s0 =	simm.s32 @!p1 $0x0  }
0x14: {  	s2 =	sld [smem:$0x3F93];
	s0 =	simm.s32 @p1 $0x1  }
0x15: {  	[smem:$0x3FB0] =	sst s0;
	s0 =	simm.s32 @!p2 $0x0  }
0x16: {  	s3 =	sld [smem:$0x3FDB];
	s0 =	simm.s32 @p2 $0x1  }
0x17: {  	s4 =	simm.s32 $0x1BF5;
	[smem:$0x3FB2] =	sst s0  }
0x18: {  	s0 =	sld [smem:$0x3F95];
	_ =	swait.ge [sflag:s4], $0x0  }
0x19: {  	s7 =	sld [smem:$0x3F96]  }
0x1a: {  	s8 =	sadd.s32 $0xFFFFE003, lr  }
0x1b: {  	s9 =	sadd.s32 $0xFFFFFEF7, lr;
	s5 =	simm.s32 $0xFFFFFFFF;
	p2 =	slt.u32 s8, $0xFFFFF086  }
0x1c: {  	p1 =	slt.u32 s9, $0xF7A;
	s5 =	simm.s32 @!p2 $0x0  }
0x1d: {  	s5 =	simm.s32 @p1 $0x1;
	p0 =	seq.s32 s7, s2  }
0x1e: {  	s7 =	smul.u32 @!p0 $0xF7A, s2;
	p2 =	seq.s32 @!p0 s5, $0x0  }
0x1f: {  	s9 =	smul.u32 $0xF7A, s1;
	s8 =	simm.s32 @!p0 $0x1BF5;
	p2 =	por !p2, p0  }
0x20: {  	[sflag:s8] =	ssyncset.s32 @!p0 $0xFFFFF086;
	s6 =	sadd.s32 @!p0 s3, s7;
	s7 =	simm.s32 @!p0 $0x108  }
0x21: {  	s3 =	sadd.s32 s3, s9;
	s6 =	sadd.s32 @!p0 $0x88, s6;
	s7 =	simm.s32 @p2 $0x1082  }
0x22: {  	[simem:s7], [sflag:s8] =	dma.local @!p0 [hbm:s6], $0xF7A  }
0x23: {  	s9 =	sor.u32 $0xD0000000, s2;
	s6 =	simm.s32 $0x108;
	_ =	swait.ge @!p0 [sflag:s8], $0x0  }
0x24: {  	s3 =	sadd.s32 $0x88, s3;
	s6 =	simm.s32 @!p1 $0x1082;
	[sflag:s4] =	ssyncset.s32 $0xFFFFF086  }
0x25: {  	[simem:s6], [sflag:s4] =	dma.local [hbm:s3], $0xF7A  }
0x26: {  	[smem:$0x3F96] =	sst s1;
	(tag) =	ssettag s2;
	_ =	strace s9  }
0x27: {  	s1 =	sld [smem:$0x3FA6]  }
0x28: {  	s2 =	sld [smem:$0x3FA7]  }
0x29: {  	s4 =	sld [smem:$0x3FA9]  }
0x2a: {  	p0 =	seq.s32 s5, $0x0;
	s5 =	sld [smem:$0x3FAA]  }
0x2b: {  	s6 =	sld [smem:$0x3FAB]  }
0x2c: {  	s7 =	sld [smem:$0x3FAC]  }
0x2d: {  	s3 =	simm.s32 $0x108;
	s8 =	sld [smem:$0x3FAD]  }
0x2e: {  	s3 =	simm.s32 @!p0 $0x1082;
	s9 =	sld [smem:$0x3FAE]  }
0x2f: {  	lr =	sadd.s32 s0, s3;
	s0 =	sld [smem:$0x3FA5]  }
0x30: {  	s3 =	sld [smem:$0x3FA8]  }
0x31: {  	[smem:$0x3FB1] =	sst s10  }
0x32: {  	s10 =	sld [smem:$0x3FAF];
	_ =	sdelay $0x3  }
0x33: {  	p0 =	seq.s32 s10, $0x1;
	s10 =	sld [smem:$0x3FB1];
	_ =	sdelay $0x3  }
0x34: {  	[smem:$0x3FB1] =	sst s10  }
0x35: {  	s10 =	sld [smem:$0x3FB0];
	_ =	sdelay $0x3  }
0x36: {  	p1 =	seq.s32 s10, $0x1;
	s10 =	sld [smem:$0x3FB1];
	_ =	sdelay $0x3  }
0x37: {  	[smem:$0x3FB1] =	sst s10  }
0x38: {  	s10 =	sld [smem:$0x3FB2]  }
0x39: {  	_ = 	snop;
	(pc) =	sbr.ind lr, $3  }
0x3a: {  	_ = 	snop  }
0x3b: {  	_ = 	snop  }
0x3c: {  	p2 =	seq.s32 s10, $0x1;
	s10 =	sld [smem:$0x3FB1]  }
0x3d: {  	_ =	shalt  }
0x3e: {  	_ =	shalt  }
0x3f: {  	_ =	shalt  }
0x40: {  	_ =	shalt  }
0x41: {  	_ =	shalt  }
0x42: {  	_ =	shalt  }
0x43: {  	_ =	shalt  }
0x44: {  	_ =	shalt  }
0x45: {  	_ =	shalt  }
0x46: {  	_ =	shalt  }
0x47: {  	_ =	shalt  }
0x48: {  	_ =	shalt  }
0x49: {  	_ =	shalt  }
0x4a: {  	_ =	shalt  }
0x4b: {  	_ =	shalt  }
0x4c: {  	_ =	shalt  }
0x4d: {  	_ =	shalt  }
0x4e: {  	_ =	shalt  }
0x4f: {  	_ =	shalt  }
0x50: {  	_ =	shalt  }
0x51: {  	_ =	shalt  }
0x52: {  	_ =	shalt  }
0x53: {  	_ =	shalt  }
0x54: {  	_ =	shalt  }
0x55: {  	_ =	shalt  }
0x56: {  	_ =	shalt  }
0x57: {  	_ =	shalt  }
0x58: {  	_ =	shalt  }
0x59: {  	_ =	shalt  }
0x5a: {  	_ =	shalt  }
0x5b: {  	_ =	shalt  }
0x5c: {  	_ =	shalt  }
0x5d: {  	_ =	shalt  }
0x5e: {  	_ =	shalt  }
0x5f: {  	_ =	shalt  }
0x60: {  	_ =	shalt  }
0x61: {  	_ =	shalt  }
0x62: {  	_ =	shalt  }
0x63: {  	_ =	shalt  }
0x64: {  	_ =	shalt  }
0x65: {  	_ =	shalt  }
0x66: {  	_ =	shalt  }
0x67: {  	_ =	shalt  }
0x68: {  	_ =	shalt  }
0x69: {  	_ =	shalt  }
0x6a: {  	_ =	shalt  }
0x6b: {  	_ =	shalt  }
0x6c: {  	_ =	shalt  }
0x6d: {  	_ =	shalt  }
0x6e: {  	_ =	shalt  }
0x6f: {  	_ =	shalt  }
0x70: {  	_ =	shalt  }
0x71: {  	_ =	shalt  }
0x72: {  	_ =	shalt  }
0x73: {  	_ =	shalt  }
0x74: {  	_ =	shalt  }
0x75: {  	_ =	shalt  }
0x76: {  	_ =	shalt  }
0x77: {  	_ =	shalt  }
0x78: {  	_ =	shalt  }
0x79: {  	_ =	shalt  }
0x7a: {  	_ =	shalt  }
0x7b: {  	_ =	shalt  }
0x7c: {  	_ =	shalt  }
0x7d: {  	_ =	shalt  }
0x7e: {  	_ =	shalt  }
0x7f: {  	_ =	shalt  }
0x80: {  	_ =	shalt  }
0x81: {  	_ =	shalt  }
0x82: {  	_ =	shalt  }
0x83: {  	_ =	shalt  }
0x84: {  	_ =	shalt  }
0x85: {  	_ =	shalt  }
0x86: {  	_ =	shalt  }
0x87: {  	_ =	shalt  }
.Lfunc_end0:
.L_simem_size_0:
called_computation.1_lowered:
.L_overlay_start_0:
0x88: {  	s2 =	sld [smem:$0x3FD9]  }
0x89: {  	s3 =	sld [smem:$0x3FFE];
	_ =	sdelay $0x1  }
0x8a: {  	s1 =	srdreg.scid  }
0x8b: {  	s0 =	sand.u32 $0x1, s1  }
0x8c: {  	s16 =	sshll.u32 s0, $0xA;
	s2 =	sadd.s32 s3, s2  }
0x8d: {  	s2 =	sadd.s32 s2, s16  }
0x8e: {  	[smem:$0x3FBD] =	sst s2  }
0x8f: {  	_ = 	snop  }
0x90: {  	(tm) =	ssettm $0x1  }
0x91: {  	s17 =	sld [smem:$0x3FFB];
	_ =	sdelay $0x3  }
0x92: {  	_ =	strace s17  }
0x93: {  	s2 =	sld [smem:$0x3FFC];
	_ =	sdelay $0x3  }
0x94: {  	_ =	strace s2  }
0x95: {  	s2 =	sld [smem:$0x3FFD];
	_ =	sdelay $0x3  }
0x96: {  	_ =	strace s2  }
0x97: {  	_ =	strace $0x8FFFFFFF  }
0x98: {  	s18 =	sld [smem:$0x3FDB];
	_ =	sdelay $0x1  }
0x99: {  	s19 =	simm.s32 $_scs_section_size  }
0x9a: {  	s4 =	simm.s32 $_size__tile_overlayer_lowered;
	s5 =	simm.s32 $_tile_overlayer_lowered  }
0x9b: {  	s22 =	simm.s32 $0x1BFF;
	s21 =	sshll.u32 s5, $0x1;
	s2 =	sadd.s32 s19, s18  }
0x9c: {  	s6 =	simm.s32 $0x0;
	s20 =	sshll.u32 s4, $0x1;
	s4 =	sadd.s32 s21, s2  }
0x9d: {  	[timem:s6], [sflag:s22] =	dma.local [hbm:s4], s20  }
0x9e: {  	_ =	swait.ge [sflag:s22], s20  }
0x9f: {  	s3 =	ssub.s32 $0x0, s20;
	[sflag:s22] =	ssyncset.done $0x0  }
0xa0: {  	[sflag:s22] =	ssyncadd.s32 s3;
	_ =	sdelay $0x1  }
0xa1: {  	s23 =	simm.s32 $0x1B8B  }
0xa2: {  	_ =	swait.ge [sflag:s23], $0x1  }
0xa3: {  	[sflag:s23] =	ssyncset.done $0x0  }
0xa4: {  	s25 =	simm.s32 $0x1B8E;
	s24 =	sld [smem:$0x3FFE];
	[sflag:s23] =	ssyncadd.s32 $0xFFFFFFFF  }
0xa5: {  	s26 =	simm.s32 $execute0_lowered;
	[smem:$0x3FD2] =	sst s25  }
0xa6: {  	s4 =	sshll.u32 s26, $0x1;
	_ =	strace $0x80000049;
	[dreg:$0x1] =	wrdreg $0xFFFFFFFF  }
0xa7: {  	s28 =	simm.s32 $_size_execute0_lowered;
	s2 =	sadd.s32 s2, s4;
	[dreg:$0x0] =	wrdreg $0x0  }
0xa8: {  	s4 =	sshll.u32 s28, $0x1;
	[dreg:$0x2] =	wrdreg s2  }
0xa9: {  	[dreg:$0x3] =	wrdreg s4  }
0xaa: {  	[dreg:$0x4] =	wrdreg $0xC0  }
0xab: {  	_ =	task [dreg:s6], $0x5FFFF  }
0xac: {  	[dreg:$0x1] =	wrdreg $0xFFFFFFFF  }
0xad: {  	[dreg:$0x0] =	wrdreg $0x60  }
0xae: {  	[dreg:$0x2] =	wrdreg s24  }
0xaf: {  	[dreg:$0x3] =	wrdreg $0x149100  }
0xb0: {  	[dreg:$0x4] =	wrdreg $0x9  }
0xb1: {  	_ =	task.clear_ibuf [dreg:s6], $0x5FFFF;
	_ =	strace $0x90000049  }
0xb2: {  	s29 =	simm.s32 $0x9;
	_ =	strace $0x8000004B  }
0xb3: {  	_ =	swait.ge [sflag:s29], $0x1  }
0xb4: {  	[sflag:s29] =	ssyncadd.s32 $0xFFFFFFFF  }
0xb5: {  	_ =	strace $0x9000004B  }
0xb6: {  	_ =	sfence  }
0xb7: {  	s30 =	sld [smem:$0x0];
	_ =	sdelay $0x2  }
0xb8: {  	s31 =	sshll.u32 s1, $0xD;
	s1 =	sshrl.u32 s1, $0x2  }
0xb9: {  	s3 =	sand.u32 $0x4000, s31;
	s1 =	sadd.s32 s1, s30  }
0xba: {  	s0 =	sor.u32 s3, s0;
	s1 =	sshll.u32 s1, $0x11  }
0xbb: {  	s0 =	sor.u32 s1, s0  }
0xbc: {  	s0 =	sadd.s32 $0x8F2B, s0  }
0xbd: {  	[sflag:s0] =	ssyncadd.remote.s32 $0x1  }
0xbe: {  	_ =	sfence.sel $0xFFFF  }
0xbf: {  	[dreg:$0x0] =	wrdreg $0xFFFFFFFF;
	(pc) =	sbr.abs _section_cstart, $3  }
0xc0: {  	[dreg:$0x1] =	wrdreg $0xFFFFFFFF  }
0xc1: {  	_ =	task.clear_ibuf [dreg:s6], $0x2FFFF;
	_ =	strace $0x9FFFFFFF  }
0xc2: {  	(tm) =	ssettm $0x7FFFFFFF  }
0xc3: {  	_ =	shalt  }
tec
execute0_lowered:
.L_overlay_start_1:
0x0: {  	(tag) =	ssettag $0x1  }
0x1: {  	s1 =	srdreg.scid;
	s4 =	rddreg [dreg:$0x0]  }
0x2: {  	s0 =	stileid.u32;
	s2 =	rddreg [dreg:$0x1];
	s3 =	simm.s32 $0x0  }
0x3: {  	s15 =	simm.s32 $0x2710;
	s16 =	simm.s32 $0xA410;
	s17 =	simm.s32 $0x1  }
0x4: {  	s18 =	simm.s32 $0x7D0;
	s19 =	simm.s32 $0x2;
	s20 =	simm.s32 $0xFA0  }
0x5: {  	s21 =	simm.s32 $0x1770;
	s22 =	simm.s32 $0x1F40;
	s23 =	simm.s32 $0x0  }
0x6: {  	s5 =	sand.u32 $0x1, s1;
	s1 =	rddreg [dreg:$0x2];
	s8 =	smul.u32 $0x500, s0  }
0x7: {  	s26 =	sshll.u32 s0, $0x1;
	[smem:$0x7FF] =	sst s3;
	s11 =	smul.u32 $0xA000, s0  }
0x8: {  	s10 =	sadd.s32 $0xDAE00, s4;
	s6 =	sor.u32 s5, s26;
	s9 =	smul.u32 $0x5000, s5  }
0x9: {  	_ =	strace $0x8000004A;
	s5 =	ssub.s32 $0x2, s5;
	s7 =	smul.u32 $0x4E2, s6  }
0xa: {  	s28 =	sshrl.u32 s5, $0x1;
	s12 =	smul.u32 $0x27100, s6;
	s29 =	sshrl.u32 s11, $0x2  }
0xb: {  	s6 =	smul.u32 $0x4E20, s6;
	s8 =	sadd.s32 s8, s9;
	s14 =	ssub.s32 s5, s28  }
0xc: {  	s7 =	sadd.s32 s7, s4;
	s13 =	sadd.s32 s8, s4;
	s30 =	sshrl.u32 s12, $0x3  }
0xd: {  	s4 =	sadd.s32 s29, s2;
	s6 =	sadd.s32 s10, s6;
	s12 =	smax.u32 s14, $0x1  }
0xe: {  	s14 =	simm.s32 $0x3;
	s5 =	sadd.s32 $0x34C00, s7;
	s31 =	sadd.s32 s10, s30  }
0xf: {  	s11 =	sadd.s32 $0x3EA00, s13;
	s13 =	simm.s32 $0x12110;
	s7 =	sadd.s32 $0xFA0, s31  }
0x10: {  	v0 =	vimm.f32 $0.0e+00;
	s8 =	sadd.s32 $0x1F40, s31;
	s9 =	sadd.s32 $0x2EE0, s31;
	s10 =	sadd.s32 $0x3E80, s31  }
.LBB2_1:
0x11: {  	s24 =	simm.s32 $0x40;
	s25 =	simm.s32 $0x0  }
.LBB2_2:
0x12: {  	p0 =	sne.s32 s24, $0x9FC0;
	[tilespmem:s25+$0x12110] =	vst v0;
	s25 =	smov.u32 s24;
	s24 =	sadd.s32 $0x40, s24  }
.Ltmp0:
0x13: {  	(pc) =	sbr.rel @p0 .LBB2_2-.Ltmp0, $2  }
0x14: {  	_ =	sdelay $0x2  }
0x15: {  	s25 =	sshra.s32 s25, $0x2  }
0x16: {  	[tilespmem:s25+$0x12110] =	vst v0  }
0x17: {  	[spmem:s4] =	stream.linear.scatter [tilespmem:s13], [sflag:$0x3], $0x2800, $0x38;
	[tilespmem:$0x17110] =	vst v63  }
0x18: {  	_ =	swait.ge [sflag:s14], $0x2800  }
0x19: {  	[sflag:s14] =	ssyncset.done $0x0  }
0x1a: {  	[sflag:s14] =	ssyncadd.s32 $0xFFFFD800  }
0x1b: {  	[tilespmem:s3], [sflag:$0x3] =	stream.linear.gather [hbm4b:s5+s3], $0x2710, $0x38;
	[tilespmem:$0x17110] =	vst v63  }
0x1c: {  	_ =	swait.ge [sflag:s14], $0x2710  }
0x1d: {  	[sflag:s14] =	ssyncset.done $0x0  }
0x1e: {  	[sflag:s14] =	ssyncadd.s32 $0xFFFFD8F0  }
0x1f: {  	[bflag:$0x0] =	sbarrier.arrive $0xFFFF  }
0x20: {  	[tilespmem:s15], [sflag:$0x1] =	stream.linear.gather [hbm4b:s6+s3], $0x7D00, $0x38;
	[tilespmem:$0x17110] =	vst v63  }
0x21: {  	_ = 	snop  }
0x22: {  	[tilespmem:s16], [sflag:$0x2] =	stream.linear.gather [hbm4b:s7+s3], $0x7D00, $0x38;
	[tilespmem:$0x17110] =	vst v63  }
0x23: {  	_ =	swait.ge [sflag:s17], $0x7D00  }
0x24: {  	[sflag:s17] =	ssyncset.done $0x0  }
0x25: {  	[sflag:s17] =	ssyncadd.s32 $0xFFFF8300  }
0x26: {  	[spmem:s2] =	stream.indirect.scatter.add.f32 [tilespmem:s15], [sflag:$0x3], $0x10, s3, s18, $0xb8;
	[tilespmem:$0x17110] =	vst v63  }
0x27: {  	_ =	swait.ge [sflag:s14], $0x7D00  }
0x28: {  	[sflag:s14] =	ssyncset.done $0x0  }
0x29: {  	[sflag:s14] =	ssyncadd.s32 $0xFFFF8300  }
0x2a: {  	[tilespmem:s15], [sflag:$0x1] =	stream.linear.gather [hbm4b:s8+s3], $0x7D00, $0x38;
	[tilespmem:$0x17110] =	vst v63  }
0x2b: {  	_ =	swait.ge [sflag:s19], $0x7D00  }
0x2c: {  	[sflag:s19] =	ssyncset.done $0x0  }
0x2d: {  	[sflag:s19] =	ssyncadd.s32 $0xFFFF8300  }
0x2e: {  	[spmem:s2] =	stream.indirect.scatter.add.f32 [tilespmem:s16], [sflag:$0x3], $0x10, s18, s18, $0xb8;
	[tilespmem:$0x17110] =	vst v63  }
0x2f: {  	_ =	swait.ge [sflag:s14], $0x7D00  }
0x30: {  	[sflag:s14] =	ssyncset.done $0x0  }
0x31: {  	[sflag:s14] =	ssyncadd.s32 $0xFFFF8300  }
0x32: {  	[tilespmem:s16], [sflag:$0x2] =	stream.linear.gather [hbm4b:s9+s3], $0x7D00, $0x38;
	[tilespmem:$0x17110] =	vst v63  }
0x33: {  	_ =	swait.ge [sflag:s17], $0x7D00  }
0x34: {  	[sflag:s17] =	ssyncset.done $0x0  }
0x35: {  	[sflag:s17] =	ssyncadd.s32 $0xFFFF8300  }
0x36: {  	[spmem:s2] =	stream.indirect.scatter.add.f32 [tilespmem:s15], [sflag:$0x3], $0x10, s20, s18, $0xb8;
	[tilespmem:$0x17110] =	vst v63  }
0x37: {  	_ =	swait.ge [sflag:s14], $0x7D00  }
0x38: {  	[sflag:s14] =	ssyncset.done $0x0  }
0x39: {  	[sflag:s14] =	ssyncadd.s32 $0xFFFF8300  }
0x3a: {  	[tilespmem:s15], [sflag:$0x1] =	stream.linear.gather [hbm4b:s10+s3], $0x7D00, $0x38;
	[tilespmem:$0x17110] =	vst v63  }
0x3b: {  	_ =	swait.ge [sflag:s19], $0x7D00  }
0x3c: {  	[sflag:s19] =	ssyncset.done $0x0  }
0x3d: {  	[sflag:s19] =	ssyncadd.s32 $0xFFFF8300  }
0x3e: {  	[spmem:s2] =	stream.indirect.scatter.add.f32 [tilespmem:s16], [sflag:$0x3], $0x10, s21, s18, $0xb8;
	[tilespmem:$0x17110] =	vst v63  }
0x3f: {  	_ =	swait.ge [sflag:s14], $0x7D00  }
0x40: {  	[sflag:s14] =	ssyncset.done $0x0  }
0x41: {  	[sflag:s14] =	ssyncadd.s32 $0xFFFF8300  }
0x42: {  	_ =	swait.ge [sflag:s17], $0x7D00  }
0x43: {  	[sflag:s17] =	ssyncset.done $0x0  }
0x44: {  	[sflag:s17] =	ssyncadd.s32 $0xFFFF8300  }
0x45: {  	[spmem:s2] =	stream.indirect.scatter.add.f32 [tilespmem:s15], [sflag:$0x3], $0x10, s22, s18, $0xb8;
	[tilespmem:$0x17110] =	vst v63  }
0x46: {  	_ =	swait.ge [sflag:s14], $0x7D00  }
0x47: {  	[sflag:s14] =	ssyncset.done $0x0  }
0x48: {  	[sflag:s14] =	ssyncadd.s32 $0xFFFF8300  }
0x49: {  	[bflag:$0x0] =	sbarrier.arrive $0xFFFF  }
0x4a: {  	[tilespmem:s13], [sflag:$0x3] =	stream.linear.gather [spmem:s4], $0x2800, $0x38;
	[tilespmem:$0x17110] =	vst v63  }
0x4b: {  	s23 =	sadd.s32 $0x1, s23;
	_ =	swait.ge [sflag:s14], $0x2800  }
0x4c: {  	p0 =	sne.s32 s23, s12;
	[sflag:s14] =	ssyncset.done $0x0  }
.Ltmp1:
0x4d: {  	[sflag:s14] =	ssyncadd.s32 $0xFFFFD800;
	(pc) =	sbr.rel @p0 .LBB2_1-.Ltmp1, $4  }
0x4e: {  	[hbm4b:s11+s3] =	stream.linear.scatter [tilespmem:s13], [sflag:$0x3], $0x2800, $0x38;
	[tilespmem:$0x17110] =	vst v63  }
0x4f: {  	_ =	swait.ge [sflag:s14], $0x2800  }
0x50: {  	[sflag:s14] =	ssyncset.done $0x0  }
0x51: {  	[sflag:s14] =	ssyncadd.s32 $0xFFFFD800  }
0x52: {  	_ =	sfence.sel $0x180000  }
0x53: {  	[bflag:$0x0] =	sbarrier.arrive $0xFFFF  }
0x54: {  	p0 =	sne.s32 s0, $0x0;
	_ =	strace $0x9000004A  }
0x55: {  	s0 =	sadd.s32 @!p0 $0x100000, s1;
	[bflag:$0x2] =	sbarrier.arrive $0xFFFF  }
0x56: {  	[sflag:s0] =	ssyncadd.tile.s32 @!p0 $0x1;
	_ =	shalt  }
.Lfunc_end2:
_tile_overlayer_lowered:
.L_overlay_start_2:
0x57: {  	(tag) =	ssettag $0x2  }
0x58: {  	s0 =	rddreg [dreg:$0x0];
	s2 =	stileid.u32  }
0x59: {  	s1 =	rddreg [dreg:$0x1];
	p0 =	sne.s32 s2, $0x0  }
0x5a: {  	s3 =	rddreg [dreg:$0x2];
	[bflag:$0x3] =	sbarrier.arrive $0xFFFF;
	s2 =	simm.s32 @!p0 $0x1C03  }
0x5b: {  	[timem:s3], [sflag:s2] =	dma.local @!p0 [hbm:s0], s1  }
0x5c: {  	s0 =	simm.s32 @!p0 $0x3  }
0x5d: {  	_ =	swait.ge @!p0 [sflag:s0], s1  }
0x5e: {  	s1 =	ssub.s32 @!p0 $0x0, s1;
	[sflag:s0] =	ssyncset.done @!p0 $0x0  }
0x5f: {  	[sflag:s0] =	ssyncadd.s32 @!p0 s1  }
0x60: {  	[bflag:$0x3] =	sbarrier.arrive $0xFFFF  }
0x61: {  	_ =	shalt  }

</sc_bundles>
